<compile_context>
chip_gen: v7x
topology: tpu7x:2x2x1
jax: 0.10.2.dev20260603
libtpu: 0.0.44.dev20260713+nightly
codegen_flags: <defaults>
</compile_context>

<pallas_src>
import functools

import jax
import jax.numpy as jnp
from jax import lax
from jax.experimental import pallas as pl
from jax.experimental.pallas import tpu as pltpu
from jax.experimental.pallas import tpu_sc as plsc

D = 128
DGW = 16
NC = 2
NS = 16
CH = 128
BN = 1000


def _sc_segment_sums(x, edges, n_acc, kpt):

    @functools.partial(
        pl.kernel,
        out_type=(jax.ShapeDtypeStruct((NC, n_acc, D), jnp.float32),
                  jax.ShapeDtypeStruct((NC, n_acc, DGW), jnp.float32)),
        mesh=plsc.VectorSubcoreMesh(core_axis_name="c", subcore_axis_name="s"),
        scratch_types=[
            pltpu.VMEM((2, CH), jnp.int32),
            pltpu.VMEM((2, CH), jnp.int32),
            pltpu.VMEM((CH, D), jnp.float32),
            pltpu.VMEM((CH, D), jnp.float32),
            pltpu.VMEM((CH, DGW), jnp.float32),
            pltpu.VMEM_SHARED((n_acc, D), jnp.float32),
            pltpu.VMEM_SHARED((n_acc, DGW), jnp.float32),
            pltpu.SemaphoreType.DMA,
            pltpu.SemaphoreType.DMA,
        ],
        compiler_params=pltpu.CompilerParams(use_tc_tiling_on_sc=False),
    )
    def body(x_hbm, edges_hbm, out_acc, out_deg, idx0, idx1,
             rows0, rows1, ones_v, acc, deg, sem0, sem1):
        src0, dst0 = idx0.at[0], idx0.at[1]
        src1, dst1 = idx1.at[0], idx1.at[1]
        c = lax.axis_index("c")
        s = lax.axis_index("s")
        rpt = n_acc // NS

        def zero_rows(r, _):
            def zero_chunk(cb, _):
                rows0[r, pl.ds(cb * 16, 16)] = jnp.zeros((16,), jnp.float32)
                return 0
            lax.fori_loop(0, D // 16, zero_chunk, 0)
            ones_v[r, pl.ds(0, 16)] = jnp.zeros((16,), jnp.float32)
            return 0
        lax.fori_loop(0, CH, zero_rows, 0)

        def zero_acc(k, _):
            pltpu.sync_copy(rows0, acc.at[pl.ds(s * rpt + k * CH, CH)])
            pltpu.sync_copy(ones_v, deg.at[pl.ds(s * rpt + k * CH, CH)])
            return 0
        lax.fori_loop(0, rpt // CH, zero_acc, 0)

        one_hot = jnp.where(lax.iota(jnp.int32, 16) == 0,
                            jnp.float32(1.0), jnp.float32(0.0))

        def set_ones(r, _):
            ones_v[r, pl.ds(0, 16)] = one_hot
            return 0
        lax.fori_loop(0, CH, set_ones, 0)

        plsc.subcore_barrier()

        def load_idx(j, idx_v):
            pltpu.sync_copy(edges_hbm.at[c, s, j], idx_v)

        load_idx(0, idx0)
        pltpu.async_copy(x_hbm.at[src0], rows0, sem0)
        load_idx(1, idx1)
        pltpu.async_copy(x_hbm.at[src1], rows1, sem1)

        def pair(jj, _):
            j = 2 * jj
            pltpu.make_async_copy(x_hbm.at[src0], rows0, sem0).wait()
            pltpu.sync_copy(rows0, acc.at[dst0], add=True)
            pltpu.sync_copy(ones_v, deg.at[dst0], add=True)
            load_idx(j + 2, idx0)
            pltpu.async_copy(x_hbm.at[src0], rows0, sem0)
            pltpu.make_async_copy(x_hbm.at[src1], rows1, sem1).wait()
            pltpu.sync_copy(rows1, acc.at[dst1], add=True)
            pltpu.sync_copy(ones_v, deg.at[dst1], add=True)

            @pl.when(j + 3 < kpt)
            def _():
                load_idx(j + 3, idx1)
                pltpu.async_copy(x_hbm.at[src1], rows1, sem1)
            return 0
        lax.fori_loop(0, (kpt - 1) // 2, pair, 0)

        pltpu.make_async_copy(x_hbm.at[src0], rows0, sem0).wait()
        pltpu.sync_copy(rows0, acc.at[dst0], add=True)
        pltpu.sync_copy(ones_v, deg.at[dst0], add=True)

        plsc.subcore_barrier()
        pltpu.sync_copy(acc.at[pl.ds(s * rpt, rpt)],
                        out_acc.at[c, pl.ds(s * rpt, rpt)])
        pltpu.sync_copy(deg.at[pl.ds(s * rpt, rpt)],
                        out_deg.at[c, pl.ds(s * rpt, rpt)])

    return body(x, edges)


def _tc_body(accA_ref, accB_ref, degA_ref, degB_ref, x_ref,
             wlA_ref, wrA_ref, wlB_ref, wrB_ref,
             w1_ref, w2_ref, blA_ref, blB_ref, b1_ref, b2_ref, out_ref):
    x = x_ref[...]
    meanA = accA_ref[0] / jnp.maximum(degA_ref[0][:, :1], 1.0)
    meanB = accB_ref[0] / jnp.maximum(degB_ref[0][:, :1], 1.0)
    f32 = jnp.float32
    hA = (jnp.dot(meanA, wlA_ref[...], preferred_element_type=f32)
          + blA_ref[...]
          + jnp.dot(x, wrA_ref[...], preferred_element_type=f32))
    hB = (jnp.dot(meanB, wlB_ref[...], preferred_element_type=f32)
          + blB_ref[...]
          + jnp.dot(x, wrB_ref[...], preferred_element_type=f32))
    h = jnp.maximum(
        jnp.dot(hA, w1_ref[:D], preferred_element_type=f32)
        + jnp.dot(hB, w1_ref[D:], preferred_element_type=f32)
        + b1_ref[...], 0.0)
    out_ref[...] = jnp.dot(h, w2_ref[...], preferred_element_type=f32) + b2_ref[...]


def kernel(x_u, edge_index_uAu, edge_index_uBu, W_l_A, b_l_A, W_r_A,
           W_l_B, b_l_B, W_r_B, W1, b1, W2, b2):
    n, d = x_u.shape
    assert d == D
    e = edge_index_uAu.shape[1]
    kpt = -(-e // (NS * CH))
    assert kpt % 2 == 1
    ept = kpt * CH
    epad = ept * NS
    n_acc = -(-(n + 1) // (NS * CH)) * NS * CH

    pad = epad - e
    fill = jnp.concatenate([jnp.zeros((1, pad), jnp.int32),
                            jnp.full((1, pad), n, jnp.int32)], axis=0)
    edges = jnp.stack([jnp.concatenate([edge_index_uAu, fill], axis=1),
                       jnp.concatenate([edge_index_uBu, fill], axis=1)])
    edges = edges.reshape(2, 2, NS, kpt, CH).transpose(0, 2, 3, 1, 4)

    acc, deg = _sc_segment_sums(x_u, edges, n_acc, kpt)

    grid = n // BN
    full = lambda i: (0, 0)
    out = pl.pallas_call(
        _tc_body,
        grid=(grid,),
        in_specs=[
            pl.BlockSpec((1, BN, D), lambda i: (0, i, 0)),
            pl.BlockSpec((1, BN, D), lambda i: (1, i, 0)),
            pl.BlockSpec((1, BN, DGW), lambda i: (0, i, 0)),
            pl.BlockSpec((1, BN, DGW), lambda i: (1, i, 0)),
            pl.BlockSpec((BN, D), lambda i: (i, 0)),
            pl.BlockSpec((D, D), full),
            pl.BlockSpec((D, D), full),
            pl.BlockSpec((D, D), full),
            pl.BlockSpec((D, D), full),
            pl.BlockSpec((2 * D, D), full),
            pl.BlockSpec((D, D), full),
            pl.BlockSpec((1, D), full),
            pl.BlockSpec((1, D), full),
            pl.BlockSpec((1, D), full),
            pl.BlockSpec((1, D), full),
        ],
        out_specs=pl.BlockSpec((BN, D), lambda i: (i, 0)),
        out_shape=jax.ShapeDtypeStruct((n, D), jnp.float32),
    )(acc, acc, deg, deg, x_u, W_l_A, W_r_A, W_l_B, W_r_B, W1, W2,
      b_l_A.reshape(1, D), b_l_B.reshape(1, D),
      b1.reshape(1, D), b2.reshape(1, D))
    return out

# --- scband reference (transcript-rebuilt; emitter-appended) ---
"""Pipeline reference for scband-relationship-summarizer-798863917140 (READ-ONLY COPY).

The authoritative reference and input builder live on the scoring server;
editing this copy changes nothing except your own understanding.
"""

import jax, jax.numpy as jnp
import numpy as np

N = 10000
D = 128
E = 320000


def _sage_conv(x_src, x_dst, edge_index, W_l, b_l, W_r):
    # PyG-style SAGEConv with mean aggregation:
    # out = lin_l(mean_{j in N(i)} x_j) + lin_r(x_i)
    src = edge_index[0]
    dst = edge_index[1]
    msgs = jnp.take(x_src, src, axis=0)                      # gather [E, D]
    summed = jax.ops.segment_sum(msgs, dst, num_segments=x_dst.shape[0])
    deg = jax.ops.segment_sum(jnp.ones((dst.shape[0],), dtype=x_src.dtype), dst,
                              num_segments=x_dst.shape[0])
    mean = summed / jnp.clip(deg, 1.0, None)[:, None]
    return mean @ W_l + b_l + x_dst @ W_r


def setup_inputs(seed: int = 0) -> dict:
    key = jax.random.key(seed)
    ks = jax.random.split(key, 12)
    s = 1.0 / np.sqrt(D)
    inp = {
        "x_u": jax.random.normal(ks[0], (N, D), dtype=jnp.float32),
        "edge_index_uAu": jax.random.randint(ks[1], (2, E), 0, N, dtype=jnp.int32),
        "edge_index_uBu": jax.random.randint(ks[2], (2, E), 0, N, dtype=jnp.int32),
        # SAGEConv params for relation 'uAu'
        "W_l_A": jax.random.uniform(ks[3], (D, D), jnp.float32, -s, s),
        "b_l_A": jnp.zeros((D,), jnp.float32),
        "W_r_A": jax.random.uniform(ks[4], (D, D), jnp.float32, -s, s),
        # SAGEConv params for relation 'uBu'
        "W_l_B": jax.random.uniform(ks[5], (D, D), jnp.float32, -s, s),
        "b_l_B": jnp.zeros((D,), jnp.float32),
        "W_r_B": jax.random.uniform(ks[6], (D, D), jnp.float32, -s, s),
        # projection MLP: Linear(2D -> D), ReLU, Linear(D -> D)
        "W1": jax.random.uniform(ks[7], (2 * D, D), jnp.float32, -1.0 / np.sqrt(2 * D), 1.0 / np.sqrt(2 * D)),
        "b1": jnp.zeros((D,), jnp.float32),
        "W2": jax.random.uniform(ks[8], (D, D), jnp.float32, -s, s),
        "b2": jnp.zeros((D,), jnp.float32),
    }
    return inp


def reference(x_u, edge_index_uAu, edge_index_uBu,
              W_l_A, b_l_A, W_r_A,
              W_l_B, b_l_B, W_r_B,
              W1, b1, W2, b2):
    # relation 'uAu': src_type='u', dst_type='u'
    h_A = _sage_conv(x_u, x_u, edge_index_uAu, W_l_A, b_l_A, W_r_A)
    # relation 'uBu'
    h_B = _sage_conv(x_u, x_u, edge_index_uBu, W_l_B, b_l_B, W_r_B)
    combined = jnp.concatenate([h_A, h_B], axis=-1)          # [N, 2D]
    h = jnp.maximum(combined @ W1 + b1, 0.0)
    return h @ W2 + b2


if False:  # reference __main__ guard neutralized (emitter)
    out = reference(**setup_inputs())
    print(out.shape)

if __name__ == "__main__":
    import jax
    _d = setup_inputs()
    print(jax.jit(kernel)(*tuple(_d.values())))

</pallas_src>

<mosaic_0001>
#map = affine_map<(d0, d1) -> (0, 0)>
#map1 = affine_map<(d0, d1) -> (0, 0, 0, 0, 0)>
#map2 = affine_map<(d0, d1) -> (0, 0, 0)>
module attributes {stable_mosaic.version = 14 : i64} {
  func.func @body(%arg0: i32, %arg1: i32, %arg2: memref<10000x128xf32, #tpu.memory_space<hbm>>, %arg3: memref<2x16x157x2x128xi32, #tpu.memory_space<hbm>>, %arg4: memref<2x10240x128xf32, #tpu.memory_space<hbm>>, %arg5: memref<2x10240x16xf32, #tpu.memory_space<hbm>>, %arg6: memref<2x128xi32, #tpu.memory_space<vmem>>, %arg7: memref<2x128xi32, #tpu.memory_space<vmem>>, %arg8: memref<128x128xf32, #tpu.memory_space<vmem>>, %arg9: memref<128x128xf32, #tpu.memory_space<vmem>>, %arg10: memref<128x16xf32, #tpu.memory_space<vmem>>, %arg11: memref<10240x128xf32, #tpu.memory_space<vmem_shared>>, %arg12: memref<10240x16xf32, #tpu.memory_space<vmem_shared>>, %arg13: memref<!tpu.dma_semaphore, #tpu.memory_space<semaphore_mem>>, %arg14: memref<!tpu.dma_semaphore, #tpu.memory_space<semaphore_mem>>) attributes {dimension_semantics = [#tpu.dimension_semantics<core_parallel>, #tpu.dimension_semantics<subcore_parallel>], iteration_bounds = array<i64: 2, 16>, scalar_prefetch = 0 : i64, scratch_operands = 9 : i64, tpu.core_type = #tpu.core_type<sc_vector_subcore>, window_params = [{transform_indices = #map}, {transform_indices = #map1}, {transform_indices = #map2}, {transform_indices = #map2}]} {
    %scan3A = arith.constant 0 : i32
    %scan3A_0 = arith.constant 0 : i32
    %scan3A_1 = arith.constant 128 : i32
    %scan3A_2 = arith.addi %scan3A_0, %scan3A_1 : i32
    %scan3A_3 = arith.constant 1 : i32
    %scan3A_4 = scf.for %scan3A_65 = %scan3A_0 to %scan3A_2 step %scan3A_3 iter_args(%scan3A_66 = %scan3A) -> (i32)  : i32 {
      %scan3A_67 = arith.constant 0 : i32
      %scan3A_68 = arith.constant 0 : i32
      %scan3A_69 = arith.constant 8 : i32
      %scan3A_70 = arith.addi %scan3A_68, %scan3A_69 : i32
      %scan3A_71 = arith.constant 1 : i32
      %scan3A_72 = scf.for %scan3A_81 = %scan3A_68 to %scan3A_70 step %scan3A_71 iter_args(%scan3A_82 = %scan3A_67) -> (i32)  : i32 {
        %broadcast_in_dim3A_83 = arith.constant 0.000000e+00 : f32
        %broadcast_in_dim3A_84 = vector.broadcast %broadcast_in_dim3A_83 : f32 to vector<16xf32>
        %mul3A_85 = arith.constant 16 : i32
        %mul3A_86 = arith.muli %scan3A_81, %mul3A_85 : i32
        %swap3A_87 = arith.index_cast %scan3A_65 : i32 to index
        %swap3A_88 = arith.index_cast %mul3A_86 : i32 to index
        %swap3A_89 = tpu.vector_load %arg8[%swap3A_87, %swap3A_88] {strides = array<i32>} : memref<128x128xf32, #tpu.memory_space<vmem>>, vector<1x16xf32>,
        %swap3A_90 = vector.shape_cast %swap3A_89 : vector<1x16xf32> to vector<16xf32>
        %swap3A_91 = vector.shape_cast %broadcast_in_dim3A_84 : vector<16xf32> to vector<1x16xf32>
        tpu.vector_store %arg8[%swap3A_87, %swap3A_88], %swap3A_91 {strides = array<i32>} : memref<128x128xf32, #tpu.memory_space<vmem>>, vector<1x16xf32>,
        %scan3A_92 = arith.constant 0 : i32
        scf.yield %scan3A_92 : i32
      }
      %scan3A_73 = arith.constant 8 : i32
      %broadcast_in_dim3A_74 = arith.constant 0.000000e+00 : f32
      %broadcast_in_dim3A_75 = vector.broadcast %broadcast_in_dim3A_74 : f32 to vector<16xf32>
      %swap3A = arith.index_cast %scan3A_65 : i32 to index
      %swap3A_76 = arith.constant 0 : index
      %swap3A_77 = tpu.vector_load %arg10[%swap3A, %swap3A_76] {strides = array<i32>} : memref<128x16xf32, #tpu.memory_space<vmem>>, vector<1x16xf32>,
      %swap3A_78 = vector.shape_cast %swap3A_77 : vector<1x16xf32> to vector<16xf32>
      %swap3A_79 = vector.shape_cast %broadcast_in_dim3A_75 : vector<16xf32> to vector<1x16xf32>
      tpu.vector_store %arg10[%swap3A, %swap3A_76], %swap3A_79 {strides = array<i32>} : memref<128x16xf32, #tpu.memory_space<vmem>>, vector<1x16xf32>,
      %scan3A_80 = arith.constant 0 : i32
      scf.yield %scan3A_80 : i32
    }
    %scan3A_5 = arith.constant 128 : i32
    %scan3A_6 = arith.constant 0 : i32
    %scan3A_7 = arith.constant 0 : i32
    %scan3A_8 = arith.constant 5 : i32
    %scan3A_9 = arith.addi %scan3A_7, %scan3A_8 : i32
    %scan3A_10 = arith.constant 1 : i32
    %scan3A_11 = scf.for %scan3A_65 = %scan3A_7 to %scan3A_9 step %scan3A_10 iter_args(%scan3A_66 = %scan3A_6) -> (i32)  : i32 {
      %mul3A_67 = arith.constant 640 : i32
      %mul3A_68 = arith.muli %arg1, %mul3A_67 : i32
      %mul3A_69 = arith.constant 128 : i32
      %mul3A_70 = arith.muli %scan3A_65, %mul3A_69 : i32
      %add3A = arith.addi %mul3A_68, %mul3A_70 : i32
      "tpu.region"() ({
        %run_scoped3A_77 = tpu.sem_alloc : memref<!tpu.dma_semaphore, #tpu.memory_space<semaphore_mem>>
        %dma_start3A_78 = arith.constant 0 : i32
        %dma_start3A_79 = tpu.memref_slice %arg11[%add3A, %dma_start3A_78] : memref<10240x128xf32, #tpu.memory_space<vmem_shared>> -> memref<128x128xf32, #tpu.memory_space<vmem_shared>>
        %dma_start3A_80 = arith.constant 0 : i32
        %dma_start3A_81 = tpu.memref_slice %arg11[%add3A, %dma_start3A_80] : memref<10240x128xf32, #tpu.memory_space<vmem_shared>> -> memref<128x128xf32, #tpu.memory_space<vmem_shared>>
        tpu.enqueue_dma source(%arg8 : memref<128x128xf32, #tpu.memory_space<vmem>>) target(%dma_start3A_81 : memref<128x128xf32, #tpu.memory_space<vmem_shared>>) target_semaphore(%run_scoped3A_77 : memref<!tpu.dma_semaphore, #tpu.memory_space<semaphore_mem>>)
        %dma_wait3A_82 = arith.constant 0 : i32
        %dma_wait3A_83 = tpu.memref_slice %arg11[%add3A, %dma_wait3A_82] : memref<10240x128xf32, #tpu.memory_space<vmem_shared>> -> memref<128x128xf32, #tpu.memory_space<vmem_shared>>
        %dma_wait3A_84 = arith.constant 0 : i32
        %dma_wait3A_85 = tpu.memref_slice %arg11[%add3A, %dma_wait3A_84] : memref<10240x128xf32, #tpu.memory_space<vmem_shared>> -> memref<128x128xf32, #tpu.memory_space<vmem_shared>>
        tpu.wait_dma2 semaphore(%run_scoped3A_77 : memref<!tpu.dma_semaphore, #tpu.memory_space<semaphore_mem>>) src(%arg8 : memref<128x128xf32, #tpu.memory_space<vmem>>) dst(%dma_wait3A_85 : memref<128x128xf32, #tpu.memory_space<vmem_shared>>)
        tpu.yield
      }) : () -> ()
      %mul3A_71 = arith.constant 640 : i32
      %mul3A_72 = arith.muli %arg1, %mul3A_71 : i32
      %mul3A_73 = arith.constant 128 : i32
      %mul3A_74 = arith.muli %scan3A_65, %mul3A_73 : i32
      %add3A_75 = arith.addi %mul3A_72, %mul3A_74 : i32
      "tpu.region"() ({
        %run_scoped3A_77 = tpu.sem_alloc : memref<!tpu.dma_semaphore, #tpu.memory_space<semaphore_mem>>
        %dma_start3A_78 = arith.constant 0 : i32
        %dma_start3A_79 = tpu.memref_slice %arg12[%add3A_75, %dma_start3A_78] : memref<10240x16xf32, #tpu.memory_space<vmem_shared>> -> memref<128x16xf32, #tpu.memory_space<vmem_shared>>
        %dma_start3A_80 = arith.constant 0 : i32
        %dma_start3A_81 = tpu.memref_slice %arg12[%add3A_75, %dma_start3A_80] : memref<10240x16xf32, #tpu.memory_space<vmem_shared>> -> memref<128x16xf32, #tpu.memory_space<vmem_shared>>
        tpu.enqueue_dma source(%arg10 : memref<128x16xf32, #tpu.memory_space<vmem>>) target(%dma_start3A_81 : memref<128x16xf32, #tpu.memory_space<vmem_shared>>) target_semaphore(%run_scoped3A_77 : memref<!tpu.dma_semaphore, #tpu.memory_space<semaphore_mem>>)
        %dma_wait3A_82 = arith.constant 0 : i32
        %dma_wait3A_83 = tpu.memref_slice %arg12[%add3A_75, %dma_wait3A_82] : memref<10240x16xf32, #tpu.memory_space<vmem_shared>> -> memref<128x16xf32, #tpu.memory_space<vmem_shared>>
        %dma_wait3A_84 = arith.constant 0 : i32
        %dma_wait3A_85 = tpu.memref_slice %arg12[%add3A_75, %dma_wait3A_84] : memref<10240x16xf32, #tpu.memory_space<vmem_shared>> -> memref<128x16xf32, #tpu.memory_space<vmem_shared>>
        tpu.wait_dma2 semaphore(%run_scoped3A_77 : memref<!tpu.dma_semaphore, #tpu.memory_space<semaphore_mem>>) src(%arg10 : memref<128x16xf32, #tpu.memory_space<vmem>>) dst(%dma_wait3A_85 : memref<128x16xf32, #tpu.memory_space<vmem_shared>>)
        tpu.yield
      }) : () -> ()
      %scan3A_76 = arith.constant 0 : i32
      scf.yield %scan3A_76 : i32
    }
    %scan3A_12 = arith.constant 5 : i32
    %iota3A = tpu.iota {dimensions = array<i32: 0>} : vector<16xi32>
    %eq3A = arith.constant 0 : i32
    %eq3A_13 = vector.broadcast %eq3A : i32 to vector<16xi32>
    %eq3A_14 = arith.cmpi eq, %iota3A, %eq3A_13 : vector<16xi32>
    %jit3A = arith.constant 1.000000e+00 : f32
    %jit3A_15 = arith.constant 0.000000e+00 : f32
    %broadcast_in_dim3A = vector.broadcast %jit3A : f32 to vector<16xf32>
    %broadcast_in_dim3A_16 = vector.broadcast %jit3A_15 : f32 to vector<16xf32>
    %select_n3A = arith.select %eq3A_14, %broadcast_in_dim3A, %broadcast_in_dim3A_16 : vector<16xi1>, vector<16xf32>
    %scan3A_17 = arith.constant 0 : i32
    %scan3A_18 = arith.constant 0 : i32
    %scan3A_19 = arith.constant 128 : i32
    %scan3A_20 = arith.addi %scan3A_18, %scan3A_19 : i32
    %scan3A_21 = arith.constant 1 : i32
    %scan3A_22 = scf.for %scan3A_65 = %scan3A_18 to %scan3A_20 step %scan3A_21 iter_args(%scan3A_66 = %scan3A_17) -> (i32)  : i32 {
      %swap3A = arith.index_cast %scan3A_65 : i32 to index
      %swap3A_67 = arith.constant 0 : index
      %swap3A_68 = tpu.vector_load %arg10[%swap3A, %swap3A_67] {strides = array<i32>} : memref<128x16xf32, #tpu.memory_space<vmem>>, vector<1x16xf32>,
      %swap3A_69 = vector.shape_cast %swap3A_68 : vector<1x16xf32> to vector<16xf32>
      %swap3A_70 = vector.shape_cast %select_n3A : vector<16xf32> to vector<1x16xf32>
      tpu.vector_store %arg10[%swap3A, %swap3A_67], %swap3A_70 {strides = array<i32>} : memref<128x16xf32, #tpu.memory_space<vmem>>, vector<1x16xf32>,
      %scan3A_71 = arith.constant 0 : i32
      scf.yield %scan3A_71 : i32
    }
    %scan3A_23 = arith.constant 128 : i32
    %barrier3A = arith.constant 0 : index
    tpu.barrier barrier_id(%barrier3A)
    %run_scoped3A = arith.constant 0 : i32
    "tpu.region"() ({
      %run_scoped3A_65 = tpu.sem_alloc : memref<!tpu.dma_semaphore, #tpu.memory_space<semaphore_mem>>
      %dma_start3A_66 = arith.constant 0 : i32
      %dma_start3A_67 = arith.constant 0 : i32
      %dma_start3A_68 = tpu.memref_slice %arg3[%arg0, %arg1, %run_scoped3A, %dma_start3A_66, %dma_start3A_67] : memref<2x16x157x2x128xi32, #tpu.memory_space<hbm>> -> memref<1x1x1x2x128xi32, #tpu.memory_space<hbm>>
      %dma_start3A_69 = tpu.memref_squeeze %dma_start3A_68 : memref<1x1x1x2x128xi32, #tpu.memory_space<hbm>> -> memref<2x128xi32, #tpu.memory_space<hbm>>
      %dma_start3A_70 = arith.constant 0 : i32
      %dma_start3A_71 = arith.constant 0 : i32
      %dma_start3A_72 = tpu.memref_slice %arg3[%arg0, %arg1, %run_scoped3A, %dma_start3A_70, %dma_start3A_71] : memref<2x16x157x2x128xi32, #tpu.memory_space<hbm>> -> memref<1x1x1x2x128xi32, #tpu.memory_space<hbm>>
      %dma_start3A_73 = tpu.memref_squeeze %dma_start3A_72 : memref<1x1x1x2x128xi32, #tpu.memory_space<hbm>> -> memref<2x128xi32, #tpu.memory_space<hbm>>
      tpu.enqueue_dma source(%dma_start3A_73 : memref<2x128xi32, #tpu.memory_space<hbm>>) target(%arg6 : memref<2x128xi32, #tpu.memory_space<vmem>>) target_semaphore(%run_scoped3A_65 : memref<!tpu.dma_semaphore, #tpu.memory_space<semaphore_mem>>)
      %dma_wait3A_74 = arith.constant 0 : i32
      %dma_wait3A_75 = arith.constant 0 : i32
      %dma_wait3A_76 = tpu.memref_slice %arg3[%arg0, %arg1, %run_scoped3A, %dma_wait3A_74, %dma_wait3A_75] : memref<2x16x157x2x128xi32, #tpu.memory_space<hbm>> -> memref<1x1x1x2x128xi32, #tpu.memory_space<hbm>>
      %dma_wait3A_77 = tpu.memref_squeeze %dma_wait3A_76 : memref<1x1x1x2x128xi32, #tpu.memory_space<hbm>> -> memref<2x128xi32, #tpu.memory_space<hbm>>
      %dma_wait3A_78 = arith.constant 0 : i32
      %dma_wait3A_79 = arith.constant 0 : i32
      %dma_wait3A_80 = tpu.memref_slice %arg3[%arg0, %arg1, %run_scoped3A, %dma_wait3A_78, %dma_wait3A_79] : memref<2x16x157x2x128xi32, #tpu.memory_space<hbm>> -> memref<1x1x1x2x128xi32, #tpu.memory_space<hbm>>
      %dma_wait3A_81 = tpu.memref_squeeze %dma_wait3A_80 : memref<1x1x1x2x128xi32, #tpu.memory_space<hbm>> -> memref<2x128xi32, #tpu.memory_space<hbm>>
      tpu.wait_dma2 semaphore(%run_scoped3A_65 : memref<!tpu.dma_semaphore, #tpu.memory_space<semaphore_mem>>) src(%dma_wait3A_81 : memref<2x128xi32, #tpu.memory_space<hbm>>) dst(%arg6 : memref<2x128xi32, #tpu.memory_space<vmem>>)
      tpu.yield
    }) : () -> ()
    %dma_start3A = arith.constant 0 : i32
    %dma_start3A_24 = arith.constant 0 : i32
    %dma_start3A_25 = tpu.memref_slice %arg6[%dma_start3A, %dma_start3A_24] : memref<2x128xi32, #tpu.memory_space<vmem>> -> memref<1x128xi32, #tpu.memory_space<vmem>>
    %dma_start3A_26 = tpu.memref_squeeze %dma_start3A_25 : memref<1x128xi32, #tpu.memory_space<vmem>> -> memref<128xi32, #tpu.memory_space<vmem>>
    %dma_start3A_27 = arith.constant 0 : i32
    %dma_start3A_28 = arith.constant 0 : i32
    %dma_start3A_29 = tpu.memref_slice %arg2[%dma_start3A_27, %dma_start3A_28] : memref<10000x128xf32, #tpu.memory_space<hbm>> -> memref<10000x128xf32, #tpu.memory_space<hbm>>
    tpu.enqueue_indirect_dma source(%dma_start3A_29 : memref<10000x128xf32, #tpu.memory_space<hbm>>) target(%arg8 : memref<128x128xf32, #tpu.memory_space<vmem>>) offsets(%dma_start3A_26 : memref<128xi32, #tpu.memory_space<vmem>>) semaphore(%arg13 : memref<!tpu.dma_semaphore, #tpu.memory_space<semaphore_mem>>)
    %run_scoped3A_30 = arith.constant 1 : i32
    "tpu.region"() ({
      %run_scoped3A_65 = tpu.sem_alloc : memref<!tpu.dma_semaphore, #tpu.memory_space<semaphore_mem>>
      %dma_start3A_66 = arith.constant 0 : i32
      %dma_start3A_67 = arith.constant 0 : i32
      %dma_start3A_68 = tpu.memref_slice %arg3[%arg0, %arg1, %run_scoped3A_30, %dma_start3A_66, %dma_start3A_67] : memref<2x16x157x2x128xi32, #tpu.memory_space<hbm>> -> memref<1x1x1x2x128xi32, #tpu.memory_space<hbm>>
      %dma_start3A_69 = tpu.memref_squeeze %dma_start3A_68 : memref<1x1x1x2x128xi32, #tpu.memory_space<hbm>> -> memref<2x128xi32, #tpu.memory_space<hbm>>
      %dma_start3A_70 = arith.constant 0 : i32
      %dma_start3A_71 = arith.constant 0 : i32
      %dma_start3A_72 = tpu.memref_slice %arg3[%arg0, %arg1, %run_scoped3A_30, %dma_start3A_70, %dma_start3A_71] : memref<2x16x157x2x128xi32, #tpu.memory_space<hbm>> -> memref<1x1x1x2x128xi32, #tpu.memory_space<hbm>>
      %dma_start3A_73 = tpu.memref_squeeze %dma_start3A_72 : memref<1x1x1x2x128xi32, #tpu.memory_space<hbm>> -> memref<2x128xi32, #tpu.memory_space<hbm>>
      tpu.enqueue_dma source(%dma_start3A_73 : memref<2x128xi32, #tpu.memory_space<hbm>>) target(%arg7 : memref<2x128xi32, #tpu.memory_space<vmem>>) target_semaphore(%run_scoped3A_65 : memref<!tpu.dma_semaphore, #tpu.memory_space<semaphore_mem>>)
      %dma_wait3A_74 = arith.constant 0 : i32
      %dma_wait3A_75 = arith.constant 0 : i32
      %dma_wait3A_76 = tpu.memref_slice %arg3[%arg0, %arg1, %run_scoped3A_30, %dma_wait3A_74, %dma_wait3A_75] : memref<2x16x157x2x128xi32, #tpu.memory_space<hbm>> -> memref<1x1x1x2x128xi32, #tpu.memory_space<hbm>>
      %dma_wait3A_77 = tpu.memref_squeeze %dma_wait3A_76 : memref<1x1x1x2x128xi32, #tpu.memory_space<hbm>> -> memref<2x128xi32, #tpu.memory_space<hbm>>
      %dma_wait3A_78 = arith.constant 0 : i32
      %dma_wait3A_79 = arith.constant 0 : i32
      %dma_wait3A_80 = tpu.memref_slice %arg3[%arg0, %arg1, %run_scoped3A_30, %dma_wait3A_78, %dma_wait3A_79] : memref<2x16x157x2x128xi32, #tpu.memory_space<hbm>> -> memref<1x1x1x2x128xi32, #tpu.memory_space<hbm>>
      %dma_wait3A_81 = tpu.memref_squeeze %dma_wait3A_80 : memref<1x1x1x2x128xi32, #tpu.memory_space<hbm>> -> memref<2x128xi32, #tpu.memory_space<hbm>>
      tpu.wait_dma2 semaphore(%run_scoped3A_65 : memref<!tpu.dma_semaphore, #tpu.memory_space<semaphore_mem>>) src(%dma_wait3A_81 : memref<2x128xi32, #tpu.memory_space<hbm>>) dst(%arg7 : memref<2x128xi32, #tpu.memory_space<vmem>>)
      tpu.yield
    }) : () -> ()
    %dma_start3A_31 = arith.constant 0 : i32
    %dma_start3A_32 = arith.constant 0 : i32
    %dma_start3A_33 = tpu.memref_slice %arg7[%dma_start3A_31, %dma_start3A_32] : memref<2x128xi32, #tpu.memory_space<vmem>> -> memref<1x128xi32, #tpu.memory_space<vmem>>
    %dma_start3A_34 = tpu.memref_squeeze %dma_start3A_33 : memref<1x128xi32, #tpu.memory_space<vmem>> -> memref<128xi32, #tpu.memory_space<vmem>>
    %dma_start3A_35 = arith.constant 0 : i32
    %dma_start3A_36 = arith.constant 0 : i32
    %dma_start3A_37 = tpu.memref_slice %arg2[%dma_start3A_35, %dma_start3A_36] : memref<10000x128xf32, #tpu.memory_space<hbm>> -> memref<10000x128xf32, #tpu.memory_space<hbm>>
    tpu.enqueue_indirect_dma source(%dma_start3A_37 : memref<10000x128xf32, #tpu.memory_space<hbm>>) target(%arg9 : memref<128x128xf32, #tpu.memory_space<vmem>>) offsets(%dma_start3A_34 : memref<128xi32, #tpu.memory_space<vmem>>) semaphore(%arg14 : memref<!tpu.dma_semaphore, #tpu.memory_space<semaphore_mem>>)
    %scan3A_38 = arith.constant 0 : i32
    %scan3A_39 = arith.constant 1 : i32
    %scan3A_40 = arith.constant 0 : i32
    %scan3A_41 = arith.constant 1 : i32
    %scan3A_42 = arith.constant 0 : i32
    %scan3A_43 = arith.constant 0 : i32
    %scan3A_44 = arith.constant 78 : i32
    %scan3A_45 = arith.addi %scan3A_43, %scan3A_44 : i32
    %scan3A_46 = arith.constant 1 : i32
    %scan3A_47 = scf.for %scan3A_65 = %scan3A_43 to %scan3A_45 step %scan3A_46 iter_args(%scan3A_66 = %scan3A_42) -> (i32)  : i32 {
      %mul3A_67 = arith.constant 2 : i32
      %mul3A_68 = arith.muli %mul3A_67, %scan3A_65 : i32
      %dma_wait3A_69 = arith.constant 0 : i32
      %dma_wait3A_70 = tpu.memref_slice %arg6[%scan3A_38, %dma_wait3A_69] : memref<2x128xi32, #tpu.memory_space<vmem>> -> memref<1x128xi32, #tpu.memory_space<vmem>>
      %dma_wait3A_71 = tpu.memref_squeeze %dma_wait3A_70 : memref<1x128xi32, #tpu.memory_space<vmem>> -> memref<128xi32, #tpu.memory_space<vmem>>
      %dma_wait3A_72 = arith.constant 0 : i32
      %dma_wait3A_73 = arith.constant 0 : i32
      %dma_wait3A_74 = tpu.memref_slice %arg2[%dma_wait3A_72, %dma_wait3A_73] : memref<10000x128xf32, #tpu.memory_space<hbm>> -> memref<10000x128xf32, #tpu.memory_space<hbm>>
      tpu.wait_indirect_dma semaphore(%arg13 : memref<!tpu.dma_semaphore, #tpu.memory_space<semaphore_mem>>) src(%dma_wait3A_74 : memref<10000x128xf32, #tpu.memory_space<hbm>>) dst(%arg8 : memref<128x128xf32, #tpu.memory_space<vmem>>)
      "tpu.region"() ({
        %run_scoped3A_93 = tpu.sem_alloc : memref<!tpu.dma_semaphore, #tpu.memory_space<semaphore_mem>>
        %dma_start3A_94 = arith.constant 0 : i32
        %dma_start3A_95 = tpu.memref_slice %arg6[%scan3A_39, %dma_start3A_94] : memref<2x128xi32, #tpu.memory_space<vmem>> -> memref<1x128xi32, #tpu.memory_space<vmem>>
        %dma_start3A_96 = tpu.memref_squeeze %dma_start3A_95 : memref<1x128xi32, #tpu.memory_space<vmem>> -> memref<128xi32, #tpu.memory_space<vmem>>
        %dma_start3A_97 = arith.constant 0 : i32
        %dma_start3A_98 = arith.constant 0 : i32
        %dma_start3A_99 = tpu.memref_slice %arg11[%dma_start3A_97, %dma_start3A_98] : memref<10240x128xf32, #tpu.memory_space<vmem_shared>> -> memref<10240x128xf32, #tpu.memory_space<vmem_shared>>
        tpu.enqueue_indirect_dma source(%arg8 : memref<128x128xf32, #tpu.memory_space<vmem>>) target(%dma_start3A_99 : memref<10240x128xf32, #tpu.memory_space<vmem_shared>>) offsets(%dma_start3A_96 : memref<128xi32, #tpu.memory_space<vmem>>) semaphore(%run_scoped3A_93 : memref<!tpu.dma_semaphore, #tpu.memory_space<semaphore_mem>>) {add = true}
        %dma_wait3A_100 = arith.constant 0 : i32
        %dma_wait3A_101 = tpu.memref_slice %arg6[%scan3A_39, %dma_wait3A_100] : memref<2x128xi32, #tpu.memory_space<vmem>> -> memref<1x128xi32, #tpu.memory_space<vmem>>
        %dma_wait3A_102 = tpu.memref_squeeze %dma_wait3A_101 : memref<1x128xi32, #tpu.memory_space<vmem>> -> memref<128xi32, #tpu.memory_space<vmem>>
        %dma_wait3A_103 = arith.constant 0 : i32
        %dma_wait3A_104 = arith.constant 0 : i32
        %dma_wait3A_105 = tpu.memref_slice %arg11[%dma_wait3A_103, %dma_wait3A_104] : memref<10240x128xf32, #tpu.memory_space<vmem_shared>> -> memref<10240x128xf32, #tpu.memory_space<vmem_shared>>
        tpu.wait_indirect_dma semaphore(%run_scoped3A_93 : memref<!tpu.dma_semaphore, #tpu.memory_space<semaphore_mem>>) src(%arg8 : memref<128x128xf32, #tpu.memory_space<vmem>>) dst(%dma_wait3A_105 : memref<10240x128xf32, #tpu.memory_space<vmem_shared>>)
        tpu.yield
      }) : () -> ()
      "tpu.region"() ({
        %run_scoped3A_93 = tpu.sem_alloc : memref<!tpu.dma_semaphore, #tpu.memory_space<semaphore_mem>>
        %dma_start3A_94 = arith.constant 0 : i32
        %dma_start3A_95 = tpu.memref_slice %arg6[%scan3A_39, %dma_start3A_94] : memref<2x128xi32, #tpu.memory_space<vmem>> -> memref<1x128xi32, #tpu.memory_space<vmem>>
        %dma_start3A_96 = tpu.memref_squeeze %dma_start3A_95 : memref<1x128xi32, #tpu.memory_space<vmem>> -> memref<128xi32, #tpu.memory_space<vmem>>
        %dma_start3A_97 = arith.constant 0 : i32
        %dma_start3A_98 = arith.constant 0 : i32
        %dma_start3A_99 = tpu.memref_slice %arg12[%dma_start3A_97, %dma_start3A_98] : memref<10240x16xf32, #tpu.memory_space<vmem_shared>> -> memref<10240x16xf32, #tpu.memory_space<vmem_shared>>
        tpu.enqueue_indirect_dma source(%arg10 : memref<128x16xf32, #tpu.memory_space<vmem>>) target(%dma_start3A_99 : memref<10240x16xf32, #tpu.memory_space<vmem_shared>>) offsets(%dma_start3A_96 : memref<128xi32, #tpu.memory_space<vmem>>) semaphore(%run_scoped3A_93 : memref<!tpu.dma_semaphore, #tpu.memory_space<semaphore_mem>>) {add = true}
        %dma_wait3A_100 = arith.constant 0 : i32
        %dma_wait3A_101 = tpu.memref_slice %arg6[%scan3A_39, %dma_wait3A_100] : memref<2x128xi32, #tpu.memory_space<vmem>> -> memref<1x128xi32, #tpu.memory_space<vmem>>
        %dma_wait3A_102 = tpu.memref_squeeze %dma_wait3A_101 : memref<1x128xi32, #tpu.memory_space<vmem>> -> memref<128xi32, #tpu.memory_space<vmem>>
        %dma_wait3A_103 = arith.constant 0 : i32
        %dma_wait3A_104 = arith.constant 0 : i32
        %dma_wait3A_105 = tpu.memref_slice %arg12[%dma_wait3A_103, %dma_wait3A_104] : memref<10240x16xf32, #tpu.memory_space<vmem_shared>> -> memref<10240x16xf32, #tpu.memory_space<vmem_shared>>
        tpu.wait_indirect_dma semaphore(%run_scoped3A_93 : memref<!tpu.dma_semaphore, #tpu.memory_space<semaphore_mem>>) src(%arg10 : memref<128x16xf32, #tpu.memory_space<vmem>>) dst(%dma_wait3A_105 : memref<10240x16xf32, #tpu.memory_space<vmem_shared>>)
        tpu.yield
      }) : () -> ()
      %add3A = arith.constant 2 : i32
      %add3A_75 = arith.addi %mul3A_68, %add3A : i32
      "tpu.region"() ({
        %run_scoped3A_93 = tpu.sem_alloc : memref<!tpu.dma_semaphore, #tpu.memory_space<semaphore_mem>>
        %dma_start3A_94 = arith.constant 0 : i32
        %dma_start3A_95 = arith.constant 0 : i32
        %dma_start3A_96 = tpu.memref_slice %arg3[%arg0, %arg1, %add3A_75, %dma_start3A_94, %dma_start3A_95] : memref<2x16x157x2x128xi32, #tpu.memory_space<hbm>> -> memref<1x1x1x2x128xi32, #tpu.memory_space<hbm>>
        %dma_start3A_97 = tpu.memref_squeeze %dma_start3A_96 : memref<1x1x1x2x128xi32, #tpu.memory_space<hbm>> -> memref<2x128xi32, #tpu.memory_space<hbm>>
        %dma_start3A_98 = arith.constant 0 : i32
        %dma_start3A_99 = arith.constant 0 : i32
        %dma_start3A_100 = tpu.memref_slice %arg3[%arg0, %arg1, %add3A_75, %dma_start3A_98, %dma_start3A_99] : memref<2x16x157x2x128xi32, #tpu.memory_space<hbm>> -> memref<1x1x1x2x128xi32, #tpu.memory_space<hbm>>
        %dma_start3A_101 = tpu.memref_squeeze %dma_start3A_100 : memref<1x1x1x2x128xi32, #tpu.memory_space<hbm>> -> memref<2x128xi32, #tpu.memory_space<hbm>>
        tpu.enqueue_dma source(%dma_start3A_101 : memref<2x128xi32, #tpu.memory_space<hbm>>) target(%arg6 : memref<2x128xi32, #tpu.memory_space<vmem>>) target_semaphore(%run_scoped3A_93 : memref<!tpu.dma_semaphore, #tpu.memory_space<semaphore_mem>>)
        %dma_wait3A_102 = arith.constant 0 : i32
        %dma_wait3A_103 = arith.constant 0 : i32
        %dma_wait3A_104 = tpu.memref_slice %arg3[%arg0, %arg1, %add3A_75, %dma_wait3A_102, %dma_wait3A_103] : memref<2x16x157x2x128xi32, #tpu.memory_space<hbm>> -> memref<1x1x1x2x128xi32, #tpu.memory_space<hbm>>
        %dma_wait3A_105 = tpu.memref_squeeze %dma_wait3A_104 : memref<1x1x1x2x128xi32, #tpu.memory_space<hbm>> -> memref<2x128xi32, #tpu.memory_space<hbm>>
        %dma_wait3A_106 = arith.constant 0 : i32
        %dma_wait3A_107 = arith.constant 0 : i32
        %dma_wait3A_108 = tpu.memref_slice %arg3[%arg0, %arg1, %add3A_75, %dma_wait3A_106, %dma_wait3A_107] : memref<2x16x157x2x128xi32, #tpu.memory_space<hbm>> -> memref<1x1x1x2x128xi32, #tpu.memory_space<hbm>>
        %dma_wait3A_109 = tpu.memref_squeeze %dma_wait3A_108 : memref<1x1x1x2x128xi32, #tpu.memory_space<hbm>> -> memref<2x128xi32, #tpu.memory_space<hbm>>
        tpu.wait_dma2 semaphore(%run_scoped3A_93 : memref<!tpu.dma_semaphore, #tpu.memory_space<semaphore_mem>>) src(%dma_wait3A_109 : memref<2x128xi32, #tpu.memory_space<hbm>>) dst(%arg6 : memref<2x128xi32, #tpu.memory_space<vmem>>)
        tpu.yield
      }) : () -> ()
      %dma_start3A_76 = arith.constant 0 : i32
      %dma_start3A_77 = tpu.memref_slice %arg6[%scan3A_38, %dma_start3A_76] : memref<2x128xi32, #tpu.memory_space<vmem>> -> memref<1x128xi32, #tpu.memory_space<vmem>>
      %dma_start3A_78 = tpu.memref_squeeze %dma_start3A_77 : memref<1x128xi32, #tpu.memory_space<vmem>> -> memref<128xi32, #tpu.memory_space<vmem>>
      %dma_start3A_79 = arith.constant 0 : i32
      %dma_start3A_80 = arith.constant 0 : i32
      %dma_start3A_81 = tpu.memref_slice %arg2[%dma_start3A_79, %dma_start3A_80] : memref<10000x128xf32, #tpu.memory_space<hbm>> -> memref<10000x128xf32, #tpu.memory_space<hbm>>
      tpu.enqueue_indirect_dma source(%dma_start3A_81 : memref<10000x128xf32, #tpu.memory_space<hbm>>) target(%arg8 : memref<128x128xf32, #tpu.memory_space<vmem>>) offsets(%dma_start3A_78 : memref<128xi32, #tpu.memory_space<vmem>>) semaphore(%arg13 : memref<!tpu.dma_semaphore, #tpu.memory_space<semaphore_mem>>)
      %dma_wait3A_82 = arith.constant 0 : i32
      %dma_wait3A_83 = tpu.memref_slice %arg7[%scan3A_40, %dma_wait3A_82] : memref<2x128xi32, #tpu.memory_space<vmem>> -> memref<1x128xi32, #tpu.memory_space<vmem>>
      %dma_wait3A_84 = tpu.memref_squeeze %dma_wait3A_83 : memref<1x128xi32, #tpu.memory_space<vmem>> -> memref<128xi32, #tpu.memory_space<vmem>>
      %dma_wait3A_85 = arith.constant 0 : i32
      %dma_wait3A_86 = arith.constant 0 : i32
      %dma_wait3A_87 = tpu.memref_slice %arg2[%dma_wait3A_85, %dma_wait3A_86] : memref<10000x128xf32, #tpu.memory_space<hbm>> -> memref<10000x128xf32, #tpu.memory_space<hbm>>
      tpu.wait_indirect_dma semaphore(%arg14 : memref<!tpu.dma_semaphore, #tpu.memory_space<semaphore_mem>>) src(%dma_wait3A_87 : memref<10000x128xf32, #tpu.memory_space<hbm>>) dst(%arg9 : memref<128x128xf32, #tpu.memory_space<vmem>>)
      "tpu.region"() ({
        %run_scoped3A_93 = tpu.sem_alloc : memref<!tpu.dma_semaphore, #tpu.memory_space<semaphore_mem>>
        %dma_start3A_94 = arith.constant 0 : i32
        %dma_start3A_95 = tpu.memref_slice %arg7[%scan3A_41, %dma_start3A_94] : memref<2x128xi32, #tpu.memory_space<vmem>> -> memref<1x128xi32, #tpu.memory_space<vmem>>
        %dma_start3A_96 = tpu.memref_squeeze %dma_start3A_95 : memref<1x128xi32, #tpu.memory_space<vmem>> -> memref<128xi32, #tpu.memory_space<vmem>>
        %dma_start3A_97 = arith.constant 0 : i32
        %dma_start3A_98 = arith.constant 0 : i32
        %dma_start3A_99 = tpu.memref_slice %arg11[%dma_start3A_97, %dma_start3A_98] : memref<10240x128xf32, #tpu.memory_space<vmem_shared>> -> memref<10240x128xf32, #tpu.memory_space<vmem_shared>>
        tpu.enqueue_indirect_dma source(%arg9 : memref<128x128xf32, #tpu.memory_space<vmem>>) target(%dma_start3A_99 : memref<10240x128xf32, #tpu.memory_space<vmem_shared>>) offsets(%dma_start3A_96 : memref<128xi32, #tpu.memory_space<vmem>>) semaphore(%run_scoped3A_93 : memref<!tpu.dma_semaphore, #tpu.memory_space<semaphore_mem>>) {add = true}
        %dma_wait3A_100 = arith.constant 0 : i32
        %dma_wait3A_101 = tpu.memref_slice %arg7[%scan3A_41, %dma_wait3A_100] : memref<2x128xi32, #tpu.memory_space<vmem>> -> memref<1x128xi32, #tpu.memory_space<vmem>>
        %dma_wait3A_102 = tpu.memref_squeeze %dma_wait3A_101 : memref<1x128xi32, #tpu.memory_space<vmem>> -> memref<128xi32, #tpu.memory_space<vmem>>
        %dma_wait3A_103 = arith.constant 0 : i32
        %dma_wait3A_104 = arith.constant 0 : i32
        %dma_wait3A_105 = tpu.memref_slice %arg11[%dma_wait3A_103, %dma_wait3A_104] : memref<10240x128xf32, #tpu.memory_space<vmem_shared>> -> memref<10240x128xf32, #tpu.memory_space<vmem_shared>>
        tpu.wait_indirect_dma semaphore(%run_scoped3A_93 : memref<!tpu.dma_semaphore, #tpu.memory_space<semaphore_mem>>) src(%arg9 : memref<128x128xf32, #tpu.memory_space<vmem>>) dst(%dma_wait3A_105 : memref<10240x128xf32, #tpu.memory_space<vmem_shared>>)
        tpu.yield
      }) : () -> ()
      "tpu.region"() ({
        %run_scoped3A_93 = tpu.sem_alloc : memref<!tpu.dma_semaphore, #tpu.memory_space<semaphore_mem>>
        %dma_start3A_94 = arith.constant 0 : i32
        %dma_start3A_95 = tpu.memref_slice %arg7[%scan3A_41, %dma_start3A_94] : memref<2x128xi32, #tpu.memory_space<vmem>> -> memref<1x128xi32, #tpu.memory_space<vmem>>
        %dma_start3A_96 = tpu.memref_squeeze %dma_start3A_95 : memref<1x128xi32, #tpu.memory_space<vmem>> -> memref<128xi32, #tpu.memory_space<vmem>>
        %dma_start3A_97 = arith.constant 0 : i32
        %dma_start3A_98 = arith.constant 0 : i32
        %dma_start3A_99 = tpu.memref_slice %arg12[%dma_start3A_97, %dma_start3A_98] : memref<10240x16xf32, #tpu.memory_space<vmem_shared>> -> memref<10240x16xf32, #tpu.memory_space<vmem_shared>>
        tpu.enqueue_indirect_dma source(%arg10 : memref<128x16xf32, #tpu.memory_space<vmem>>) target(%dma_start3A_99 : memref<10240x16xf32, #tpu.memory_space<vmem_shared>>) offsets(%dma_start3A_96 : memref<128xi32, #tpu.memory_space<vmem>>) semaphore(%run_scoped3A_93 : memref<!tpu.dma_semaphore, #tpu.memory_space<semaphore_mem>>) {add = true}
        %dma_wait3A_100 = arith.constant 0 : i32
        %dma_wait3A_101 = tpu.memref_slice %arg7[%scan3A_41, %dma_wait3A_100] : memref<2x128xi32, #tpu.memory_space<vmem>> -> memref<1x128xi32, #tpu.memory_space<vmem>>
        %dma_wait3A_102 = tpu.memref_squeeze %dma_wait3A_101 : memref<1x128xi32, #tpu.memory_space<vmem>> -> memref<128xi32, #tpu.memory_space<vmem>>
        %dma_wait3A_103 = arith.constant 0 : i32
        %dma_wait3A_104 = arith.constant 0 : i32
        %dma_wait3A_105 = tpu.memref_slice %arg12[%dma_wait3A_103, %dma_wait3A_104] : memref<10240x16xf32, #tpu.memory_space<vmem_shared>> -> memref<10240x16xf32, #tpu.memory_space<vmem_shared>>
        tpu.wait_indirect_dma semaphore(%run_scoped3A_93 : memref<!tpu.dma_semaphore, #tpu.memory_space<semaphore_mem>>) src(%arg10 : memref<128x16xf32, #tpu.memory_space<vmem>>) dst(%dma_wait3A_105 : memref<10240x16xf32, #tpu.memory_space<vmem_shared>>)
        tpu.yield
      }) : () -> ()
      %add3A_88 = arith.constant 3 : i32
      %add3A_89 = arith.addi %mul3A_68, %add3A_88 : i32
      %lt3A = arith.constant 157 : i32
      %lt3A_90 = arith.cmpi slt, %add3A_89, %lt3A : i32
      %convert_element_type3A = arith.extui %lt3A_90 : i1 to i32
      %cond3A = arith.constant 0 : i32
      %cond3A_91 = arith.cmpi ne, %convert_element_type3A, %cond3A : i32
      scf.if %cond3A_91 {
        %add3A_93 = arith.constant 3 : i32
        %add3A_94 = arith.addi %mul3A_68, %add3A_93 : i32
        "tpu.region"() ({
          %run_scoped3A_101 = tpu.sem_alloc : memref<!tpu.dma_semaphore, #tpu.memory_space<semaphore_mem>>
          %dma_start3A_102 = arith.constant 0 : i32
          %dma_start3A_103 = arith.constant 0 : i32
          %dma_start3A_104 = tpu.memref_slice %arg3[%arg0, %arg1, %add3A_94, %dma_start3A_102, %dma_start3A_103] : memref<2x16x157x2x128xi32, #tpu.memory_space<hbm>> -> memref<1x1x1x2x128xi32, #tpu.memory_space<hbm>>
          %dma_start3A_105 = tpu.memref_squeeze %dma_start3A_104 : memref<1x1x1x2x128xi32, #tpu.memory_space<hbm>> -> memref<2x128xi32, #tpu.memory_space<hbm>>
          %dma_start3A_106 = arith.constant 0 : i32
          %dma_start3A_107 = arith.constant 0 : i32
          %dma_start3A_108 = tpu.memref_slice %arg3[%arg0, %arg1, %add3A_94, %dma_start3A_106, %dma_start3A_107] : memref<2x16x157x2x128xi32, #tpu.memory_space<hbm>> -> memref<1x1x1x2x128xi32, #tpu.memory_space<hbm>>
          %dma_start3A_109 = tpu.memref_squeeze %dma_start3A_108 : memref<1x1x1x2x128xi32, #tpu.memory_space<hbm>> -> memref<2x128xi32, #tpu.memory_space<hbm>>
          tpu.enqueue_dma source(%dma_start3A_109 : memref<2x128xi32, #tpu.memory_space<hbm>>) target(%arg7 : memref<2x128xi32, #tpu.memory_space<vmem>>) target_semaphore(%run_scoped3A_101 : memref<!tpu.dma_semaphore, #tpu.memory_space<semaphore_mem>>)
          %dma_wait3A_110 = arith.constant 0 : i32
          %dma_wait3A_111 = arith.constant 0 : i32
          %dma_wait3A_112 = tpu.memref_slice %arg3[%arg0, %arg1, %add3A_94, %dma_wait3A_110, %dma_wait3A_111] : memref<2x16x157x2x128xi32, #tpu.memory_space<hbm>> -> memref<1x1x1x2x128xi32, #tpu.memory_space<hbm>>
          %dma_wait3A_113 = tpu.memref_squeeze %dma_wait3A_112 : memref<1x1x1x2x128xi32, #tpu.memory_space<hbm>> -> memref<2x128xi32, #tpu.memory_space<hbm>>
          %dma_wait3A_114 = arith.constant 0 : i32
          %dma_wait3A_115 = arith.constant 0 : i32
          %dma_wait3A_116 = tpu.memref_slice %arg3[%arg0, %arg1, %add3A_94, %dma_wait3A_114, %dma_wait3A_115] : memref<2x16x157x2x128xi32, #tpu.memory_space<hbm>> -> memref<1x1x1x2x128xi32, #tpu.memory_space<hbm>>
          %dma_wait3A_117 = tpu.memref_squeeze %dma_wait3A_116 : memref<1x1x1x2x128xi32, #tpu.memory_space<hbm>> -> memref<2x128xi32, #tpu.memory_space<hbm>>
          tpu.wait_dma2 semaphore(%run_scoped3A_101 : memref<!tpu.dma_semaphore, #tpu.memory_space<semaphore_mem>>) src(%dma_wait3A_117 : memref<2x128xi32, #tpu.memory_space<hbm>>) dst(%arg7 : memref<2x128xi32, #tpu.memory_space<vmem>>)
          tpu.yield
        }) : () -> ()
        %dma_start3A_95 = arith.constant 0 : i32
        %dma_start3A_96 = tpu.memref_slice %arg7[%scan3A_40, %dma_start3A_95] : memref<2x128xi32, #tpu.memory_space<vmem>> -> memref<1x128xi32, #tpu.memory_space<vmem>>
        %dma_start3A_97 = tpu.memref_squeeze %dma_start3A_96 : memref<1x128xi32, #tpu.memory_space<vmem>> -> memref<128xi32, #tpu.memory_space<vmem>>
        %dma_start3A_98 = arith.constant 0 : i32
        %dma_start3A_99 = arith.constant 0 : i32
        %dma_start3A_100 = tpu.memref_slice %arg2[%dma_start3A_98, %dma_start3A_99] : memref<10000x128xf32, #tpu.memory_space<hbm>> -> memref<10000x128xf32, #tpu.memory_space<hbm>>
        tpu.enqueue_indirect_dma source(%dma_start3A_100 : memref<10000x128xf32, #tpu.memory_space<hbm>>) target(%arg9 : memref<128x128xf32, #tpu.memory_space<vmem>>) offsets(%dma_start3A_97 : memref<128xi32, #tpu.memory_space<vmem>>) semaphore(%arg14 : memref<!tpu.dma_semaphore, #tpu.memory_space<semaphore_mem>>)
      } else {
      }
      %scan3A_92 = arith.constant 0 : i32
      scf.yield %scan3A_92 : i32
    }
    %scan3A_48 = arith.constant 78 : i32
    %dma_wait3A = arith.constant 0 : i32
    %dma_wait3A_49 = arith.constant 0 : i32
    %dma_wait3A_50 = tpu.memref_slice %arg6[%dma_wait3A, %dma_wait3A_49] : memref<2x128xi32, #tpu.memory_space<vmem>> -> memref<1x128xi32, #tpu.memory_space<vmem>>
    %dma_wait3A_51 = tpu.memref_squeeze %dma_wait3A_50 : memref<1x128xi32, #tpu.memory_space<vmem>> -> memref<128xi32, #tpu.memory_space<vmem>>
    %dma_wait3A_52 = arith.constant 0 : i32
    %dma_wait3A_53 = arith.constant 0 : i32
    %dma_wait3A_54 = tpu.memref_slice %arg2[%dma_wait3A_52, %dma_wait3A_53] : memref<10000x128xf32, #tpu.memory_space<hbm>> -> memref<10000x128xf32, #tpu.memory_space<hbm>>
    tpu.wait_indirect_dma semaphore(%arg13 : memref<!tpu.dma_semaphore, #tpu.memory_space<semaphore_mem>>) src(%dma_wait3A_54 : memref<10000x128xf32, #tpu.memory_space<hbm>>) dst(%arg8 : memref<128x128xf32, #tpu.memory_space<vmem>>)
    %run_scoped3A_55 = arith.constant 1 : i32
    "tpu.region"() ({
      %run_scoped3A_65 = tpu.sem_alloc : memref<!tpu.dma_semaphore, #tpu.memory_space<semaphore_mem>>
      %dma_start3A_66 = arith.constant 0 : i32
      %dma_start3A_67 = tpu.memref_slice %arg6[%run_scoped3A_55, %dma_start3A_66] : memref<2x128xi32, #tpu.memory_space<vmem>> -> memref<1x128xi32, #tpu.memory_space<vmem>>
      %dma_start3A_68 = tpu.memref_squeeze %dma_start3A_67 : memref<1x128xi32, #tpu.memory_space<vmem>> -> memref<128xi32, #tpu.memory_space<vmem>>
      %dma_start3A_69 = arith.constant 0 : i32
      %dma_start3A_70 = arith.constant 0 : i32
      %dma_start3A_71 = tpu.memref_slice %arg11[%dma_start3A_69, %dma_start3A_70] : memref<10240x128xf32, #tpu.memory_space<vmem_shared>> -> memref<10240x128xf32, #tpu.memory_space<vmem_shared>>
      tpu.enqueue_indirect_dma source(%arg8 : memref<128x128xf32, #tpu.memory_space<vmem>>) target(%dma_start3A_71 : memref<10240x128xf32, #tpu.memory_space<vmem_shared>>) offsets(%dma_start3A_68 : memref<128xi32, #tpu.memory_space<vmem>>) semaphore(%run_scoped3A_65 : memref<!tpu.dma_semaphore, #tpu.memory_space<semaphore_mem>>) {add = true}
      %dma_wait3A_72 = arith.constant 0 : i32
      %dma_wait3A_73 = tpu.memref_slice %arg6[%run_scoped3A_55, %dma_wait3A_72] : memref<2x128xi32, #tpu.memory_space<vmem>> -> memref<1x128xi32, #tpu.memory_space<vmem>>
      %dma_wait3A_74 = tpu.memref_squeeze %dma_wait3A_73 : memref<1x128xi32, #tpu.memory_space<vmem>> -> memref<128xi32, #tpu.memory_space<vmem>>
      %dma_wait3A_75 = arith.constant 0 : i32
      %dma_wait3A_76 = arith.constant 0 : i32
      %dma_wait3A_77 = tpu.memref_slice %arg11[%dma_wait3A_75, %dma_wait3A_76] : memref<10240x128xf32, #tpu.memory_space<vmem_shared>> -> memref<10240x128xf32, #tpu.memory_space<vmem_shared>>
      tpu.wait_indirect_dma semaphore(%run_scoped3A_65 : memref<!tpu.dma_semaphore, #tpu.memory_space<semaphore_mem>>) src(%arg8 : memref<128x128xf32, #tpu.memory_space<vmem>>) dst(%dma_wait3A_77 : memref<10240x128xf32, #tpu.memory_space<vmem_shared>>)
      tpu.yield
    }) : () -> ()
    %run_scoped3A_56 = arith.constant 1 : i32
    "tpu.region"() ({
      %run_scoped3A_65 = tpu.sem_alloc : memref<!tpu.dma_semaphore, #tpu.memory_space<semaphore_mem>>
      %dma_start3A_66 = arith.constant 0 : i32
      %dma_start3A_67 = tpu.memref_slice %arg6[%run_scoped3A_56, %dma_start3A_66] : memref<2x128xi32, #tpu.memory_space<vmem>> -> memref<1x128xi32, #tpu.memory_space<vmem>>
      %dma_start3A_68 = tpu.memref_squeeze %dma_start3A_67 : memref<1x128xi32, #tpu.memory_space<vmem>> -> memref<128xi32, #tpu.memory_space<vmem>>
      %dma_start3A_69 = arith.constant 0 : i32
      %dma_start3A_70 = arith.constant 0 : i32
      %dma_start3A_71 = tpu.memref_slice %arg12[%dma_start3A_69, %dma_start3A_70] : memref<10240x16xf32, #tpu.memory_space<vmem_shared>> -> memref<10240x16xf32, #tpu.memory_space<vmem_shared>>
      tpu.enqueue_indirect_dma source(%arg10 : memref<128x16xf32, #tpu.memory_space<vmem>>) target(%dma_start3A_71 : memref<10240x16xf32, #tpu.memory_space<vmem_shared>>) offsets(%dma_start3A_68 : memref<128xi32, #tpu.memory_space<vmem>>) semaphore(%run_scoped3A_65 : memref<!tpu.dma_semaphore, #tpu.memory_space<semaphore_mem>>) {add = true}
      %dma_wait3A_72 = arith.constant 0 : i32
      %dma_wait3A_73 = tpu.memref_slice %arg6[%run_scoped3A_56, %dma_wait3A_72] : memref<2x128xi32, #tpu.memory_space<vmem>> -> memref<1x128xi32, #tpu.memory_space<vmem>>
      %dma_wait3A_74 = tpu.memref_squeeze %dma_wait3A_73 : memref<1x128xi32, #tpu.memory_space<vmem>> -> memref<128xi32, #tpu.memory_space<vmem>>
      %dma_wait3A_75 = arith.constant 0 : i32
      %dma_wait3A_76 = arith.constant 0 : i32
      %dma_wait3A_77 = tpu.memref_slice %arg12[%dma_wait3A_75, %dma_wait3A_76] : memref<10240x16xf32, #tpu.memory_space<vmem_shared>> -> memref<10240x16xf32, #tpu.memory_space<vmem_shared>>
      tpu.wait_indirect_dma semaphore(%run_scoped3A_65 : memref<!tpu.dma_semaphore, #tpu.memory_space<semaphore_mem>>) src(%arg10 : memref<128x16xf32, #tpu.memory_space<vmem>>) dst(%dma_wait3A_77 : memref<10240x16xf32, #tpu.memory_space<vmem_shared>>)
      tpu.yield
    }) : () -> ()
    %barrier3A_57 = arith.constant 0 : index
    tpu.barrier barrier_id(%barrier3A_57)
    %mul3A = arith.constant 640 : i32
    %mul3A_58 = arith.muli %arg1, %mul3A : i32
    %mul3A_59 = arith.constant 640 : i32
    %mul3A_60 = arith.muli %arg1, %mul3A_59 : i32
    "tpu.region"() ({
      %run_scoped3A_65 = tpu.sem_alloc : memref<!tpu.dma_semaphore, #tpu.memory_space<semaphore_mem>>
      %dma_start3A_66 = arith.constant 0 : i32
      %dma_start3A_67 = tpu.memref_slice %arg4[%arg0, %mul3A_60, %dma_start3A_66] : memref<2x10240x128xf32, #tpu.memory_space<hbm>> -> memref<1x640x128xf32, #tpu.memory_space<hbm>>
      %dma_start3A_68 = tpu.memref_squeeze %dma_start3A_67 : memref<1x640x128xf32, #tpu.memory_space<hbm>> -> memref<640x128xf32, #tpu.memory_space<hbm>>
      %dma_start3A_69 = arith.constant 0 : i32
      %dma_start3A_70 = tpu.memref_slice %arg11[%mul3A_58, %dma_start3A_69] : memref<10240x128xf32, #tpu.memory_space<vmem_shared>> -> memref<640x128xf32, #tpu.memory_space<vmem_shared>>
      tpu.enqueue_dma source(%dma_start3A_70 : memref<640x128xf32, #tpu.memory_space<vmem_shared>>) target(%dma_start3A_68 : memref<640x128xf32, #tpu.memory_space<hbm>>) target_semaphore(%run_scoped3A_65 : memref<!tpu.dma_semaphore, #tpu.memory_space<semaphore_mem>>)
      %dma_wait3A_71 = arith.constant 0 : i32
      %dma_wait3A_72 = tpu.memref_slice %arg4[%arg0, %mul3A_60, %dma_wait3A_71] : memref<2x10240x128xf32, #tpu.memory_space<hbm>> -> memref<1x640x128xf32, #tpu.memory_space<hbm>>
      %dma_wait3A_73 = tpu.memref_squeeze %dma_wait3A_72 : memref<1x640x128xf32, #tpu.memory_space<hbm>> -> memref<640x128xf32, #tpu.memory_space<hbm>>
      %dma_wait3A_74 = arith.constant 0 : i32
      %dma_wait3A_75 = tpu.memref_slice %arg11[%mul3A_58, %dma_wait3A_74] : memref<10240x128xf32, #tpu.memory_space<vmem_shared>> -> memref<640x128xf32, #tpu.memory_space<vmem_shared>>
      tpu.wait_dma2 semaphore(%run_scoped3A_65 : memref<!tpu.dma_semaphore, #tpu.memory_space<semaphore_mem>>) src(%dma_wait3A_75 : memref<640x128xf32, #tpu.memory_space<vmem_shared>>) dst(%dma_wait3A_73 : memref<640x128xf32, #tpu.memory_space<hbm>>)
      tpu.yield
    }) : () -> ()
    %mul3A_61 = arith.constant 640 : i32
    %mul3A_62 = arith.muli %arg1, %mul3A_61 : i32
    %mul3A_63 = arith.constant 640 : i32
    %mul3A_64 = arith.muli %arg1, %mul3A_63 : i32
    "tpu.region"() ({
      %run_scoped3A_65 = tpu.sem_alloc : memref<!tpu.dma_semaphore, #tpu.memory_space<semaphore_mem>>
      %dma_start3A_66 = arith.constant 0 : i32
      %dma_start3A_67 = tpu.memref_slice %arg5[%arg0, %mul3A_64, %dma_start3A_66] : memref<2x10240x16xf32, #tpu.memory_space<hbm>> -> memref<1x640x16xf32, #tpu.memory_space<hbm>>
      %dma_start3A_68 = tpu.memref_squeeze %dma_start3A_67 : memref<1x640x16xf32, #tpu.memory_space<hbm>> -> memref<640x16xf32, #tpu.memory_space<hbm>>
      %dma_start3A_69 = arith.constant 0 : i32
      %dma_start3A_70 = tpu.memref_slice %arg12[%mul3A_62, %dma_start3A_69] : memref<10240x16xf32, #tpu.memory_space<vmem_shared>> -> memref<640x16xf32, #tpu.memory_space<vmem_shared>>
      tpu.enqueue_dma source(%dma_start3A_70 : memref<640x16xf32, #tpu.memory_space<vmem_shared>>) target(%dma_start3A_68 : memref<640x16xf32, #tpu.memory_space<hbm>>) target_semaphore(%run_scoped3A_65 : memref<!tpu.dma_semaphore, #tpu.memory_space<semaphore_mem>>)
      %dma_wait3A_71 = arith.constant 0 : i32
      %dma_wait3A_72 = tpu.memref_slice %arg5[%arg0, %mul3A_64, %dma_wait3A_71] : memref<2x10240x16xf32, #tpu.memory_space<hbm>> -> memref<1x640x16xf32, #tpu.memory_space<hbm>>
      %dma_wait3A_73 = tpu.memref_squeeze %dma_wait3A_72 : memref<1x640x16xf32, #tpu.memory_space<hbm>> -> memref<640x16xf32, #tpu.memory_space<hbm>>
      %dma_wait3A_74 = arith.constant 0 : i32
      %dma_wait3A_75 = tpu.memref_slice %arg12[%mul3A_62, %dma_wait3A_74] : memref<10240x16xf32, #tpu.memory_space<vmem_shared>> -> memref<640x16xf32, #tpu.memory_space<vmem_shared>>
      tpu.wait_dma2 semaphore(%run_scoped3A_65 : memref<!tpu.dma_semaphore, #tpu.memory_space<semaphore_mem>>) src(%dma_wait3A_75 : memref<640x16xf32, #tpu.memory_space<vmem_shared>>) dst(%dma_wait3A_73 : memref<640x16xf32, #tpu.memory_space<hbm>>)
      tpu.yield
    }) : () -> ()
    return
  }
}

module attributes {stable_mosaic.version = 14 : i64} {
  func.func @_tc_body(%arg0: i32, %arg1: memref<1x1000x128xf32, #tpu.memory_space<vmem>>, %arg2: memref<1x1000x128xf32, #tpu.memory_space<vmem>>, %arg3: memref<1x1000x16xf32, #tpu.memory_space<vmem>>, %arg4: memref<1x1000x16xf32, #tpu.memory_space<vmem>>, %arg5: memref<1000x128xf32, #tpu.memory_space<vmem>>, %arg6: memref<128x128xf32, #tpu.memory_space<vmem>>, %arg7: memref<128x128xf32, #tpu.memory_space<vmem>>, %arg8: memref<128x128xf32, #tpu.memory_space<vmem>>, %arg9: memref<128x128xf32, #tpu.memory_space<vmem>>, %arg10: memref<256x128xf32, #tpu.memory_space<vmem>>, %arg11: memref<128x128xf32, #tpu.memory_space<vmem>>, %arg12: memref<1x128xf32, #tpu.memory_space<vmem>>, %arg13: memref<1x128xf32, #tpu.memory_space<vmem>>, %arg14: memref<1x128xf32, #tpu.memory_space<vmem>>, %arg15: memref<1x128xf32, #tpu.memory_space<vmem>>, %arg16: memref<1000x128xf32, #tpu.memory_space<vmem>>) attributes {dimension_semantics = [#tpu.dimension_semantics<arbitrary>], iteration_bounds = array<i64: 10>, scalar_prefetch = 0 : i64, scratch_operands = 0 : i64, tpu.core_type = #tpu.core_type<tc>, window_params = [{transform_indices = @transform_0, window_bounds = array<i64: 1, 1000, 128>}, {transform_indices = @transform_1, window_bounds = array<i64: 1, 1000, 128>}, {transform_indices = @transform_2, window_bounds = array<i64: 1, 1000, 16>}, {transform_indices = @transform_3, window_bounds = array<i64: 1, 1000, 16>}, {transform_indices = @transform_4, window_bounds = array<i64: 1000, 128>}, {pipeline_mode = #tpu.pipeline_mode<synchronous>, transform_indices = @transform_5, window_bounds = array<i64: 128, 128>}, {pipeline_mode = #tpu.pipeline_mode<synchronous>, transform_indices = @transform_6, window_bounds = array<i64: 128, 128>}, {pipeline_mode = #tpu.pipeline_mode<synchronous>, transform_indices = @transform_7, window_bounds = array<i64: 128, 128>}, {pipeline_mode = #tpu.pipeline_mode<synchronous>, transform_indices = @transform_8, window_bounds = array<i64: 128, 128>}, {pipeline_mode = #tpu.pipeline_mode<synchronous>, transform_indices = @transform_9, window_bounds = array<i64: 256, 128>}, {pipeline_mode = #tpu.pipeline_mode<synchronous>, transform_indices = @transform_10, window_bounds = array<i64: 128, 128>}, {pipeline_mode = #tpu.pipeline_mode<synchronous>, transform_indices = @transform_11, window_bounds = array<i64: 1, 128>}, {pipeline_mode = #tpu.pipeline_mode<synchronous>, transform_indices = @transform_12, window_bounds = array<i64: 1, 128>}, {pipeline_mode = #tpu.pipeline_mode<synchronous>, transform_indices = @transform_13, window_bounds = array<i64: 1, 128>}, {pipeline_mode = #tpu.pipeline_mode<synchronous>, transform_indices = @transform_14, window_bounds = array<i64: 1, 128>}, {transform_indices = @transform_15, window_bounds = array<i64: 1000, 128>}]} {
    %get3A = arith.constant 0 : index
    %get3A_0 = arith.constant 0 : index
    %get3A_1 = vector.load %arg5[%get3A, %get3A_0] : memref<1000x128xf32, #tpu.memory_space<vmem>>, vector<1000x128xf32>
    %get3A_2 = arith.constant 0 : index
    %get3A_3 = arith.constant 0 : index
    %get3A_4 = arith.constant 0 : index
    %get3A_5 = vector.load %arg1[%get3A_2, %get3A_3, %get3A_4] : memref<1x1000x128xf32, #tpu.memory_space<vmem>>, vector<1x1000x128xf32>
    %get3A_6 = vector.shape_cast %get3A_5 : vector<1x1000x128xf32> to vector<1000x128xf32>
    %get3A_7 = arith.constant 0 : index
    %get3A_8 = arith.constant 0 : index
    %get3A_9 = arith.constant 0 : index
    %get3A_10 = vector.load %arg3[%get3A_7, %get3A_8, %get3A_9] : memref<1x1000x16xf32, #tpu.memory_space<vmem>>, vector<1x1000x16xf32>
    %get3A_11 = vector.shape_cast %get3A_10 : vector<1x1000x16xf32> to vector<1000x16xf32>
    %slice3A = vector.extract_strided_slice %get3A_11 {offsets = [0, 0], sizes = [1000, 1], strides = [1, 1]} : vector<1000x16xf32> to vector<1000x1xf32>
    %max3A = arith.constant 1.000000e+00 : f32
    %max3A_12 = vector.broadcast %max3A : f32 to vector<1000x1xf32>
    %max3A_13 = arith.maximumf %slice3A, %max3A_12 : vector<1000x1xf32>
    %div3A = vector.broadcast %max3A_13 : vector<1000x1xf32> to vector<1000x128xf32>
    %div3A_14 = arith.divf %get3A_6, %div3A : vector<1000x128xf32>
    %get3A_15 = arith.constant 0 : index
    %get3A_16 = arith.constant 0 : index
    %get3A_17 = arith.constant 0 : index
    %get3A_18 = vector.load %arg2[%get3A_15, %get3A_16, %get3A_17] : memref<1x1000x128xf32, #tpu.memory_space<vmem>>, vector<1x1000x128xf32>
    %get3A_19 = vector.shape_cast %get3A_18 : vector<1x1000x128xf32> to vector<1000x128xf32>
    %get3A_20 = arith.constant 0 : index
    %get3A_21 = arith.constant 0 : index
    %get3A_22 = arith.constant 0 : index
    %get3A_23 = vector.load %arg4[%get3A_20, %get3A_21, %get3A_22] : memref<1x1000x16xf32, #tpu.memory_space<vmem>>, vector<1x1000x16xf32>
    %get3A_24 = vector.shape_cast %get3A_23 : vector<1x1000x16xf32> to vector<1000x16xf32>
    %slice3A_25 = vector.extract_strided_slice %get3A_24 {offsets = [0, 0], sizes = [1000, 1], strides = [1, 1]} : vector<1000x16xf32> to vector<1000x1xf32>
    %max3A_26 = arith.constant 1.000000e+00 : f32
    %max3A_27 = vector.broadcast %max3A_26 : f32 to vector<1000x1xf32>
    %max3A_28 = arith.maximumf %slice3A_25, %max3A_27 : vector<1000x1xf32>
    %div3A_29 = vector.broadcast %max3A_28 : vector<1000x1xf32> to vector<1000x128xf32>
    %div3A_30 = arith.divf %get3A_19, %div3A_29 : vector<1000x128xf32>
    %get3A_31 = arith.constant 0 : index
    %get3A_32 = arith.constant 0 : index
    %get3A_33 = vector.load %arg6[%get3A_31, %get3A_32] : memref<128x128xf32, #tpu.memory_space<vmem>>, vector<128x128xf32>
    %dot_general3A = arith.constant dense<0.000000e+00> : vector<1000x128xf32>
    %dot_general3A_34 = tpu.matmul %div3A_14, %get3A_33, %dot_general3A {dimension_numbers = #tpu.dot_dimension_numbers<[1], [0], [0], [1], [0, 0, 1, 1], [], []>, transpose_lhs_hint = false} : vector<1000x128xf32>, vector<128x128xf32>, vector<1000x128xf32> -> vector<1000x128xf32>
    %get3A_35 = arith.constant 0 : index
    %get3A_36 = arith.constant 0 : index
    %get3A_37 = vector.load %arg12[%get3A_35, %get3A_36] : memref<1x128xf32, #tpu.memory_space<vmem>>, vector<1x128xf32>
    %add3A = vector.broadcast %get3A_37 : vector<1x128xf32> to vector<1000x128xf32>
    %add3A_38 = arith.addf %dot_general3A_34, %add3A : vector<1000x128xf32>
    %get3A_39 = arith.constant 0 : index
    %get3A_40 = arith.constant 0 : index
    %get3A_41 = vector.load %arg7[%get3A_39, %get3A_40] : memref<128x128xf32, #tpu.memory_space<vmem>>, vector<128x128xf32>
    %dot_general3A_42 = arith.constant dense<0.000000e+00> : vector<1000x128xf32>
    %dot_general3A_43 = tpu.matmul %get3A_1, %get3A_41, %dot_general3A_42 {dimension_numbers = #tpu.dot_dimension_numbers<[1], [0], [0], [1], [0, 0, 1, 1], [], []>, transpose_lhs_hint = false} : vector<1000x128xf32>, vector<128x128xf32>, vector<1000x128xf32> -> vector<1000x128xf32>
    %add3A_44 = arith.addf %add3A_38, %dot_general3A_43 : vector<1000x128xf32>
    %get3A_45 = arith.constant 0 : index
    %get3A_46 = arith.constant 0 : index
    %get3A_47 = vector.load %arg8[%get3A_45, %get3A_46] : memref<128x128xf32, #tpu.memory_space<vmem>>, vector<128x128xf32>
    %dot_general3A_48 = arith.constant dense<0.000000e+00> : vector<1000x128xf32>
    %dot_general3A_49 = tpu.matmul %div3A_30, %get3A_47, %dot_general3A_48 {dimension_numbers = #tpu.dot_dimension_numbers<[1], [0], [0], [1], [0, 0, 1, 1], [], []>, transpose_lhs_hint = false} : vector<1000x128xf32>, vector<128x128xf32>, vector<1000x128xf32> -> vector<1000x128xf32>
    %get3A_50 = arith.constant 0 : index
    %get3A_51 = arith.constant 0 : index
    %get3A_52 = vector.load %arg13[%get3A_50, %get3A_51] : memref<1x128xf32, #tpu.memory_space<vmem>>, vector<1x128xf32>
    %add3A_53 = vector.broadcast %get3A_52 : vector<1x128xf32> to vector<1000x128xf32>
    %add3A_54 = arith.addf %dot_general3A_49, %add3A_53 : vector<1000x128xf32>
    %get3A_55 = arith.constant 0 : index
    %get3A_56 = arith.constant 0 : index
    %get3A_57 = vector.load %arg9[%get3A_55, %get3A_56] : memref<128x128xf32, #tpu.memory_space<vmem>>, vector<128x128xf32>
    %dot_general3A_58 = arith.constant dense<0.000000e+00> : vector<1000x128xf32>
    %dot_general3A_59 = tpu.matmul %get3A_1, %get3A_57, %dot_general3A_58 {dimension_numbers = #tpu.dot_dimension_numbers<[1], [0], [0], [1], [0, 0, 1, 1], [], []>, transpose_lhs_hint = false} : vector<1000x128xf32>, vector<128x128xf32>, vector<1000x128xf32> -> vector<1000x128xf32>
    %add3A_60 = arith.addf %add3A_54, %dot_general3A_59 : vector<1000x128xf32>
    %get3A_61 = arith.constant 0 : index
    %get3A_62 = arith.constant 0 : index
    %get3A_63 = vector.load %arg10[%get3A_61, %get3A_62] : memref<256x128xf32, #tpu.memory_space<vmem>>, vector<128x128xf32>
    %dot_general3A_64 = arith.constant dense<0.000000e+00> : vector<1000x128xf32>
    %dot_general3A_65 = tpu.matmul %add3A_44, %get3A_63, %dot_general3A_64 {dimension_numbers = #tpu.dot_dimension_numbers<[1], [0], [0], [1], [0, 0, 1, 1], [], []>, transpose_lhs_hint = false} : vector<1000x128xf32>, vector<128x128xf32>, vector<1000x128xf32> -> vector<1000x128xf32>
    %get3A_66 = arith.constant 128 : index
    %get3A_67 = arith.constant 0 : index
    %get3A_68 = vector.load %arg10[%get3A_66, %get3A_67] : memref<256x128xf32, #tpu.memory_space<vmem>>, vector<128x128xf32>
    %dot_general3A_69 = arith.constant dense<0.000000e+00> : vector<1000x128xf32>
    %dot_general3A_70 = tpu.matmul %add3A_60, %get3A_68, %dot_general3A_69 {dimension_numbers = #tpu.dot_dimension_numbers<[1], [0], [0], [1], [0, 0, 1, 1], [], []>, transpose_lhs_hint = false} : vector<1000x128xf32>, vector<128x128xf32>, vector<1000x128xf32> -> vector<1000x128xf32>
    %add3A_71 = arith.addf %dot_general3A_65, %dot_general3A_70 : vector<1000x128xf32>
    %get3A_72 = arith.constant 0 : index
    %get3A_73 = arith.constant 0 : index
    %get3A_74 = vector.load %arg14[%get3A_72, %get3A_73] : memref<1x128xf32, #tpu.memory_space<vmem>>, vector<1x128xf32>
    %add3A_75 = vector.broadcast %get3A_74 : vector<1x128xf32> to vector<1000x128xf32>
    %add3A_76 = arith.addf %add3A_71, %add3A_75 : vector<1000x128xf32>
    %max3A_77 = arith.constant 0.000000e+00 : f32
    %max3A_78 = vector.broadcast %max3A_77 : f32 to vector<1000x128xf32>
    %max3A_79 = arith.maximumf %add3A_76, %max3A_78 : vector<1000x128xf32>
    %get3A_80 = arith.constant 0 : index
    %get3A_81 = arith.constant 0 : index
    %get3A_82 = vector.load %arg11[%get3A_80, %get3A_81] : memref<128x128xf32, #tpu.memory_space<vmem>>, vector<128x128xf32>
    %dot_general3A_83 = arith.constant dense<0.000000e+00> : vector<1000x128xf32>
    %dot_general3A_84 = tpu.matmul %max3A_79, %get3A_82, %dot_general3A_83 {dimension_numbers = #tpu.dot_dimension_numbers<[1], [0], [0], [1], [0, 0, 1, 1], [], []>, transpose_lhs_hint = false} : vector<1000x128xf32>, vector<128x128xf32>, vector<1000x128xf32> -> vector<1000x128xf32>
    %get3A_85 = arith.constant 0 : index
    %get3A_86 = arith.constant 0 : index
    %get3A_87 = vector.load %arg15[%get3A_85, %get3A_86] : memref<1x128xf32, #tpu.memory_space<vmem>>, vector<1x128xf32>
    %add3A_88 = vector.broadcast %get3A_87 : vector<1x128xf32> to vector<1000x128xf32>
    %add3A_89 = arith.addf %dot_general3A_84, %add3A_88 : vector<1000x128xf32>
    %swap3A = arith.constant 0 : index
    %swap3A_90 = arith.constant 0 : index
    %swap3A_91 = vector.load %arg16[%swap3A, %swap3A_90] : memref<1000x128xf32, #tpu.memory_space<vmem>>, vector<1000x128xf32>
    tpu.vector_store %arg16[%swap3A, %swap3A_90], %add3A_89 {strides = array<i32>} : memref<1000x128xf32, #tpu.memory_space<vmem>>, vector<1000x128xf32>,
    return
  }
  func.func @transform_0(%arg0: i32) -> (i32, i32, i32) {
    %c0_i32 = arith.constant 0 : i32
    %c0_i32_0 = arith.constant 0 : i32
    %c0_i32_1 = arith.constant 0 : i32
    return %c0_i32, %arg0, %c0_i32_0 : i32, i32, i32
  }
  func.func @transform_1(%arg0: i32) -> (i32, i32, i32) {
    %c1_i32 = arith.constant 1 : i32
    %c0_i32 = arith.constant 0 : i32
    %c0_i32_0 = arith.constant 0 : i32
    return %c1_i32, %arg0, %c0_i32 : i32, i32, i32
  }
  func.func @transform_2(%arg0: i32) -> (i32, i32, i32) {
    %c0_i32 = arith.constant 0 : i32
    %c0_i32_0 = arith.constant 0 : i32
    %c0_i32_1 = arith.constant 0 : i32
    return %c0_i32, %arg0, %c0_i32_0 : i32, i32, i32
  }
  func.func @transform_3(%arg0: i32) -> (i32, i32, i32) {
    %c1_i32 = arith.constant 1 : i32
    %c0_i32 = arith.constant 0 : i32
    %c0_i32_0 = arith.constant 0 : i32
    return %c1_i32, %arg0, %c0_i32 : i32, i32, i32
  }
  func.func @transform_4(%arg0: i32) -> (i32, i32) {
    %c0_i32 = arith.constant 0 : i32
    %c0_i32_0 = arith.constant 0 : i32
    return %arg0, %c0_i32 : i32, i32
  }
  func.func @transform_5(%arg0: i32) -> (i32, i32) {
    %c0_i32 = arith.constant 0 : i32
    %c0_i32_0 = arith.constant 0 : i32
    %c0_i32_1 = arith.constant 0 : i32
    return %c0_i32, %c0_i32_0 : i32, i32
  }
  func.func @transform_6(%arg0: i32) -> (i32, i32) {
    %c0_i32 = arith.constant 0 : i32
    %c0_i32_0 = arith.constant 0 : i32
    %c0_i32_1 = arith.constant 0 : i32
    return %c0_i32, %c0_i32_0 : i32, i32
  }
  func.func @transform_7(%arg0: i32) -> (i32, i32) {
    %c0_i32 = arith.constant 0 : i32
    %c0_i32_0 = arith.constant 0 : i32
    %c0_i32_1 = arith.constant 0 : i32
    return %c0_i32, %c0_i32_0 : i32, i32
  }
  func.func @transform_8(%arg0: i32) -> (i32, i32) {
    %c0_i32 = arith.constant 0 : i32
    %c0_i32_0 = arith.constant 0 : i32
    %c0_i32_1 = arith.constant 0 : i32
    return %c0_i32, %c0_i32_0 : i32, i32
  }
  func.func @transform_9(%arg0: i32) -> (i32, i32) {
    %c0_i32 = arith.constant 0 : i32
    %c0_i32_0 = arith.constant 0 : i32
    %c0_i32_1 = arith.constant 0 : i32
    return %c0_i32, %c0_i32_0 : i32, i32
  }
  func.func @transform_10(%arg0: i32) -> (i32, i32) {
    %c0_i32 = arith.constant 0 : i32
    %c0_i32_0 = arith.constant 0 : i32
    %c0_i32_1 = arith.constant 0 : i32
    return %c0_i32, %c0_i32_0 : i32, i32
  }
  func.func @transform_11(%arg0: i32) -> (i32, i32) {
    %c0_i32 = arith.constant 0 : i32
    %c0_i32_0 = arith.constant 0 : i32
    %c0_i32_1 = arith.constant 0 : i32
    return %c0_i32, %c0_i32_0 : i32, i32
  }
  func.func @transform_12(%arg0: i32) -> (i32, i32) {
    %c0_i32 = arith.constant 0 : i32
    %c0_i32_0 = arith.constant 0 : i32
    %c0_i32_1 = arith.constant 0 : i32
    return %c0_i32, %c0_i32_0 : i32, i32
  }
  func.func @transform_13(%arg0: i32) -> (i32, i32) {
    %c0_i32 = arith.constant 0 : i32
    %c0_i32_0 = arith.constant 0 : i32
    %c0_i32_1 = arith.constant 0 : i32
    return %c0_i32, %c0_i32_0 : i32, i32
  }
  func.func @transform_14(%arg0: i32) -> (i32, i32) {
    %c0_i32 = arith.constant 0 : i32
    %c0_i32_0 = arith.constant 0 : i32
    %c0_i32_1 = arith.constant 0 : i32
    return %c0_i32, %c0_i32_0 : i32, i32
  }
  func.func @transform_15(%arg0: i32) -> (i32, i32) {
    %c0_i32 = arith.constant 0 : i32
    %c0_i32_0 = arith.constant 0 : i32
    return %arg0, %c0_i32 : i32, i32
  }
}

</mosaic_0001>

<sc_bundles>
// kernel: kernel.4.cloned.1.call-start
scs
__scs_entry_jumppad:
0x0: {  	(pc) =	sbr.rel $0x88, $3  }
0x1: {  	(tag) =	ssettag $0x0;
	lr =	simm.s32 $0x1  }
0x2: {  	[smem:$0x3F94] =	sst lr;
	_ =	strace $0xD0000000  }
0x3: {  	_ = 	snop  }
0x4: {  	_ = 	snop  }
0x5: {  	_ = 	snop  }
0x6: {  	_ = 	snop  }
0x7: {  	_ = 	snop  }
__scs_overlays_trampoline_lowered:
0x8: {  	[smem:$0x3FA3] =	sst s0  }
0x9: {  	[smem:$0x3FA4] =	sst s1  }
0xa: {  	[smem:$0x3FA5] =	sst s2  }
0xb: {  	[smem:$0x3FA6] =	sst s3  }
0xc: {  	[smem:$0x3FA7] =	sst s4  }
0xd: {  	[smem:$0x3FA8] =	sst s5  }
0xe: {  	[smem:$0x3FA9] =	sst s6  }
0xf: {  	[smem:$0x3FAA] =	sst s7  }
0x10: {  	[smem:$0x3FAB] =	sst s8  }
0x11: {  	[smem:$0x3FAC] =	sst s9;
	s0 =	simm.s32 @!p0 $0x0  }
0x12: {  	s1 =	sld [smem:$0x3F92];
	s0 =	simm.s32 @p0 $0x1  }
0x13: {  	[smem:$0x3FAD] =	sst s0;
	s0 =	simm.s32 @!p1 $0x0  }
0x14: {  	s2 =	sld [smem:$0x3F91];
	s0 =	simm.s32 @p1 $0x1  }
0x15: {  	[smem:$0x3FAE] =	sst s0;
	s0 =	simm.s32 @!p2 $0x0  }
0x16: {  	s3 =	sld [smem:$0x3FDB];
	s0 =	simm.s32 @p2 $0x1  }
0x17: {  	s4 =	simm.s32 $0x1BF5;
	[smem:$0x3FB0] =	sst s0  }
0x18: {  	s0 =	sld [smem:$0x3F93];
	_ =	swait.ge [sflag:s4], $0x0  }
0x19: {  	s7 =	sld [smem:$0x3F94]  }
0x1a: {  	s8 =	sadd.s32 $0xFFFFE003, lr  }
0x1b: {  	s9 =	sadd.s32 $0xFFFFFEF7, lr;
	s5 =	simm.s32 $0xFFFFFFFF;
	p2 =	slt.u32 s8, $0xFFFFF086  }
0x1c: {  	p1 =	slt.u32 s9, $0xF7A;
	s5 =	simm.s32 @!p2 $0x0  }
0x1d: {  	s5 =	simm.s32 @p1 $0x1;
	p0 =	seq.s32 s7, s2  }
0x1e: {  	s7 =	smul.u32 @!p0 $0xF7A, s2;
	p2 =	seq.s32 @!p0 s5, $0x0  }
0x1f: {  	s9 =	smul.u32 $0xF7A, s1;
	s8 =	simm.s32 @!p0 $0x1BF5;
	p2 =	por !p2, p0  }
0x20: {  	[sflag:s8] =	ssyncset.s32 @!p0 $0xFFFFF086;
	s6 =	sadd.s32 @!p0 s3, s7;
	s7 =	simm.s32 @!p0 $0x108  }
0x21: {  	s3 =	sadd.s32 s3, s9;
	s6 =	sadd.s32 @!p0 $0x88, s6;
	s7 =	simm.s32 @p2 $0x1082  }
0x22: {  	[simem:s7], [sflag:s8] =	dma.local @!p0 [hbm:s6], $0xF7A  }
0x23: {  	s9 =	sor.u32 $0xD0000000, s2;
	s6 =	simm.s32 $0x108;
	_ =	swait.ge @!p0 [sflag:s8], $0x0  }
0x24: {  	s3 =	sadd.s32 $0x88, s3;
	s6 =	simm.s32 @!p1 $0x1082;
	[sflag:s4] =	ssyncset.s32 $0xFFFFF086  }
0x25: {  	[simem:s6], [sflag:s4] =	dma.local [hbm:s3], $0xF7A  }
0x26: {  	[smem:$0x3F94] =	sst s1;
	(tag) =	ssettag s2;
	_ =	strace s9  }
0x27: {  	s1 =	sld [smem:$0x3FA4]  }
0x28: {  	s2 =	sld [smem:$0x3FA5]  }
0x29: {  	s4 =	sld [smem:$0x3FA7]  }
0x2a: {  	p0 =	seq.s32 s5, $0x0;
	s5 =	sld [smem:$0x3FA8]  }
0x2b: {  	s6 =	sld [smem:$0x3FA9]  }
0x2c: {  	s7 =	sld [smem:$0x3FAA]  }
0x2d: {  	s3 =	simm.s32 $0x108;
	s8 =	sld [smem:$0x3FAB]  }
0x2e: {  	s3 =	simm.s32 @!p0 $0x1082;
	s9 =	sld [smem:$0x3FAC]  }
0x2f: {  	lr =	sadd.s32 s0, s3;
	s0 =	sld [smem:$0x3FA3]  }
0x30: {  	s3 =	sld [smem:$0x3FA6]  }
0x31: {  	[smem:$0x3FAF] =	sst s10  }
0x32: {  	s10 =	sld [smem:$0x3FAD];
	_ =	sdelay $0x3  }
0x33: {  	p0 =	seq.s32 s10, $0x1;
	s10 =	sld [smem:$0x3FAF];
	_ =	sdelay $0x3  }
0x34: {  	[smem:$0x3FAF] =	sst s10  }
0x35: {  	s10 =	sld [smem:$0x3FAE];
	_ =	sdelay $0x3  }
0x36: {  	p1 =	seq.s32 s10, $0x1;
	s10 =	sld [smem:$0x3FAF];
	_ =	sdelay $0x3  }
0x37: {  	[smem:$0x3FAF] =	sst s10  }
0x38: {  	s10 =	sld [smem:$0x3FB0]  }
0x39: {  	_ = 	snop;
	(pc) =	sbr.ind lr, $3  }
0x3a: {  	_ = 	snop  }
0x3b: {  	_ = 	snop  }
0x3c: {  	p2 =	seq.s32 s10, $0x1;
	s10 =	sld [smem:$0x3FAF]  }
0x3d: {  	_ =	shalt  }
0x3e: {  	_ =	shalt  }
0x3f: {  	_ =	shalt  }
0x40: {  	_ =	shalt  }
0x41: {  	_ =	shalt  }
0x42: {  	_ =	shalt  }
0x43: {  	_ =	shalt  }
0x44: {  	_ =	shalt  }
0x45: {  	_ =	shalt  }
0x46: {  	_ =	shalt  }
0x47: {  	_ =	shalt  }
0x48: {  	_ =	shalt  }
0x49: {  	_ =	shalt  }
0x4a: {  	_ =	shalt  }
0x4b: {  	_ =	shalt  }
0x4c: {  	_ =	shalt  }
0x4d: {  	_ =	shalt  }
0x4e: {  	_ =	shalt  }
0x4f: {  	_ =	shalt  }
0x50: {  	_ =	shalt  }
0x51: {  	_ =	shalt  }
0x52: {  	_ =	shalt  }
0x53: {  	_ =	shalt  }
0x54: {  	_ =	shalt  }
0x55: {  	_ =	shalt  }
0x56: {  	_ =	shalt  }
0x57: {  	_ =	shalt  }
0x58: {  	_ =	shalt  }
0x59: {  	_ =	shalt  }
0x5a: {  	_ =	shalt  }
0x5b: {  	_ =	shalt  }
0x5c: {  	_ =	shalt  }
0x5d: {  	_ =	shalt  }
0x5e: {  	_ =	shalt  }
0x5f: {  	_ =	shalt  }
0x60: {  	_ =	shalt  }
0x61: {  	_ =	shalt  }
0x62: {  	_ =	shalt  }
0x63: {  	_ =	shalt  }
0x64: {  	_ =	shalt  }
0x65: {  	_ =	shalt  }
0x66: {  	_ =	shalt  }
0x67: {  	_ =	shalt  }
0x68: {  	_ =	shalt  }
0x69: {  	_ =	shalt  }
0x6a: {  	_ =	shalt  }
0x6b: {  	_ =	shalt  }
0x6c: {  	_ =	shalt  }
0x6d: {  	_ =	shalt  }
0x6e: {  	_ =	shalt  }
0x6f: {  	_ =	shalt  }
0x70: {  	_ =	shalt  }
0x71: {  	_ =	shalt  }
0x72: {  	_ =	shalt  }
0x73: {  	_ =	shalt  }
0x74: {  	_ =	shalt  }
0x75: {  	_ =	shalt  }
0x76: {  	_ =	shalt  }
0x77: {  	_ =	shalt  }
0x78: {  	_ =	shalt  }
0x79: {  	_ =	shalt  }
0x7a: {  	_ =	shalt  }
0x7b: {  	_ =	shalt  }
0x7c: {  	_ =	shalt  }
0x7d: {  	_ =	shalt  }
0x7e: {  	_ =	shalt  }
0x7f: {  	_ =	shalt  }
0x80: {  	_ =	shalt  }
0x81: {  	_ =	shalt  }
0x82: {  	_ =	shalt  }
0x83: {  	_ =	shalt  }
0x84: {  	_ =	shalt  }
0x85: {  	_ =	shalt  }
0x86: {  	_ =	shalt  }
0x87: {  	_ =	shalt  }
.Lfunc_end0:
.L_simem_size_0:
called_computation_lowered:
.L_overlay_start_0:
0x88: {  	s2 =	sld [smem:$0x3FD9]  }
0x89: {  	s3 =	sld [smem:$0x3FFE];
	_ =	sdelay $0x1  }
0x8a: {  	s1 =	srdreg.scid  }
0x8b: {  	s0 =	sand.u32 $0x1, s1  }
0x8c: {  	s17 =	sshll.u32 s0, $0xA;
	s2 =	sadd.s32 s3, s2  }
0x8d: {  	s2 =	sadd.s32 s2, s17  }
0x8e: {  	[smem:$0x3FBB] =	sst s2  }
0x8f: {  	_ = 	snop  }
0x90: {  	s2 =	sld [smem:$0x3FC9]  }
0x91: {  	s18 =	sld [smem:$0x3FD0];
	(tm) =	ssettm $0x1  }
0x92: {  	s4 =	sld [smem:$0x3FFB];
	_ =	sdelay $0x3  }
0x93: {  	_ =	strace s4  }
0x94: {  	s4 =	sld [smem:$0x3FFC];
	_ =	sdelay $0x3  }
0x95: {  	_ =	strace s4  }
0x96: {  	s4 =	sld [smem:$0x3FFD];
	_ =	sdelay $0x3  }
0x97: {  	_ =	strace s4  }
0x98: {  	_ =	strace $0x8FFFFFFF  }
0x99: {  	s19 =	sld [smem:$0x3FDB];
	_ =	sdelay $0x1  }
0x9a: {  	s5 =	simm.s32 $_scs_section_size  }
0x9b: {  	s6 =	simm.s32 $_size__tile_overlayer_lowered;
	s7 =	simm.s32 $_tile_overlayer_lowered  }
0x9c: {  	s22 =	simm.s32 $0x1BFF;
	s21 =	sshll.u32 s7, $0x1;
	s4 =	sadd.s32 s5, s19  }
0x9d: {  	s8 =	simm.s32 $0x0;
	s20 =	sshll.u32 s6, $0x1;
	s6 =	sadd.s32 s21, s4  }
0x9e: {  	[timem:s8], [sflag:s22] =	dma.local [hbm:s6], s20  }
0x9f: {  	_ =	swait.ge [sflag:s22], s20  }
0xa0: {  	s5 =	ssub.s32 $0x0, s20;
	[sflag:s22] =	ssyncset.done $0x0  }
0xa1: {  	[sflag:s22] =	ssyncadd.s32 s5;
	_ =	sdelay $0x1  }
0xa2: {  	s23 =	simm.s32 $0x1B8B  }
0xa3: {  	_ =	swait.ge [sflag:s23], $0x1  }
0xa4: {  	[sflag:s23] =	ssyncset.done $0x0  }
0xa5: {  	s25 =	simm.s32 $0x1B8E;
	s24 =	sld [smem:$0x3FFE];
	[sflag:s23] =	ssyncadd.s32 $0xFFFFFFFF  }
0xa6: {  	s26 =	simm.s32 $execute0_lowered;
	[smem:$0x3FD2] =	sst s25  }
0xa7: {  	s6 =	sshll.u32 s26, $0x1;
	_ =	strace $0x80000046;
	[dreg:$0x1] =	wrdreg $0xFFFFFFFF  }
0xa8: {  	s28 =	simm.s32 $_size_execute0_lowered;
	s4 =	sadd.s32 s4, s6;
	[dreg:$0x0] =	wrdreg $0x0  }
0xa9: {  	s6 =	sshll.u32 s28, $0x1;
	[dreg:$0x2] =	wrdreg s4  }
0xaa: {  	[dreg:$0x3] =	wrdreg s6  }
0xab: {  	[dreg:$0x4] =	wrdreg $0xC0  }
0xac: {  	_ =	task [dreg:s8], $0x5FFFF  }
0xad: {  	[dreg:$0x1] =	wrdreg $0xFFFFFFFF  }
0xae: {  	[dreg:$0x0] =	wrdreg $0x60  }
0xaf: {  	[dreg:$0x2] =	wrdreg s2  }
0xb0: {  	[dreg:$0x3] =	wrdreg s24  }
0xb1: {  	[dreg:$0x4] =	wrdreg s18  }
0xb2: {  	[dreg:$0x5] =	wrdreg $0x8A000  }
0xb3: {  	[dreg:$0x6] =	wrdreg $0x1CA000  }
0xb4: {  	[dreg:$0x7] =	wrdreg $0x9  }
0xb5: {  	_ =	task.clear_ibuf [dreg:s8], $0x8FFFF;
	_ =	strace $0x90000046  }
0xb6: {  	s29 =	simm.s32 $0x9;
	_ =	strace $0x80000048  }
0xb7: {  	_ =	swait.ge [sflag:s29], $0x1  }
0xb8: {  	[sflag:s29] =	ssyncadd.s32 $0xFFFFFFFF  }
0xb9: {  	_ =	strace $0x90000048  }
0xba: {  	_ =	sfence  }
0xbb: {  	s30 =	sld [smem:$0x0];
	_ =	sdelay $0x2  }
0xbc: {  	s31 =	sshll.u32 s1, $0xD;
	s1 =	sshrl.u32 s1, $0x2  }
0xbd: {  	s3 =	sand.u32 $0x4000, s31;
	s1 =	sadd.s32 s1, s30  }
0xbe: {  	s0 =	sor.u32 s3, s0;
	s1 =	sshll.u32 s1, $0x11  }
0xbf: {  	s0 =	sor.u32 s1, s0  }
0xc0: {  	s0 =	sadd.s32 $0x8F2B, s0  }
0xc1: {  	[sflag:s0] =	ssyncadd.remote.s32 $0x1  }
0xc2: {  	_ =	sfence.sel $0xFFFF  }
0xc3: {  	[dreg:$0x0] =	wrdreg $0xFFFFFFFF;
	(pc) =	sbr.abs _section_cstart, $3  }
0xc4: {  	[dreg:$0x1] =	wrdreg $0xFFFFFFFF  }
0xc5: {  	_ =	task.clear_ibuf [dreg:s8], $0x2FFFF;
	_ =	strace $0x9FFFFFFF  }
0xc6: {  	(tm) =	ssettm $0x7FFFFFFF  }
0xc7: {  	_ =	shalt  }
tec
execute0_lowered:
.L_overlay_start_1:
0x0: {  	(tag) =	ssettag $0x1  }
0x1: {  	s0 =	rddreg [dreg:$0x0]  }
0x2: {  	s1 =	rddreg [dreg:$0x1];
	s15 =	stileid.u32  }
0x3: {  	s2 =	rddreg [dreg:$0x2];
	s8 =	smul.u32 $0x14000, s15  }
0x4: {  	s4 =	srdreg.scid;
	s11 =	smul.u32 $0x9D00, s15  }
0x5: {  	s3 =	rddreg [dreg:$0x3];
	s13 =	smul.u32 $0x2800, s15  }
0x6: {  	s5 =	simm.s32 $0x0;
	s28 =	simm.s32 $0x200;
	s14 =	smul.u32 $0x280, s15  }
0x7: {  	s29 =	simm.s32 $0x3;
	s30 =	simm.s32 $0x8200;
	s24 =	smul.u32 $0x50000, s15  }
0x8: {  	s7 =	sand.u32 $0x1, s4;
	s4 =	rddreg [dreg:$0x4];
	s26 =	smul.u32 $0xA000, s15  }
0x9: {  	s31 =	simm.s32 $0x80;
	[smem:$0x7FF] =	sst s5;
	s6 =	smul.u32 $0x140000, s7  }
0xa: {  	s9 =	smul.u32 $0x9D000, s7;
	_ =	strace $0x80000047;
	s21 =	ssub.s32 $0x2, s7  }
0xb: {  	s22 =	smul.u32 $0x28000, s7;
	s23 =	sshrl.u32 s21, $0x1;
	s16 =	sadd.s32 $0x80, s14  }
0xc: {  	s18 =	sadd.s32 $0x100, s14;
	s6 =	sadd.s32 s8, s6;
	s9 =	sadd.s32 s11, s9  }
0xd: {  	s11 =	sadd.s32 s13, s22;
	s8 =	sadd.s32 s8, s3;
	s17 =	sshll.u32 s16, $0x7  }
0xe: {  	s19 =	sshll.u32 s18, $0x7;
	s20 =	sshll.u32 s18, $0x4;
	s10 =	sshrl.u32 s6, $0x3  }
0xf: {  	s6 =	sadd.s32 $0x2800, s1;
	s12 =	sshrl.u32 s9, $0x3;
	s25 =	sshrl.u32 s11, $0x3  }
0x10: {  	s11 =	simm.s32 $0x0;
	s1 =	sadd.s32 s10, s1;
	s7 =	sadd.s32 s6, s12  }
0x11: {  	s10 =	ssub.s32 s21, s23;
	s21 =	sadd.s32 $0x180, s14;
	s12 =	sadd.s32 $0x20, s7  }
0x12: {  	s23 =	sadd.s32 $0x200, s14;
	s1 =	sadd.s32 $0x29C00, s1;
	[dreg:$0x6] =	wrdreg s12  }
0x13: {  	s10 =	smax.u32 s10, $0x1;
	s22 =	sshll.u32 s21, $0x7;
	[dreg:$0x7] =	wrdreg s1  }
0x14: {  	s1 =	sadd.s32 s2, s25;
	[dreg:$0x9] =	wrdreg s10;
	s12 =	sshrl.u32 s24, $0x2  }
0x15: {  	s10 =	sadd.s32 s17, s3;
	s17 =	sadd.s32 s20, s4;
	s18 =	sadd.s32 s22, s3  }
0x16: {  	s24 =	sshll.u32 s23, $0x7;
	s25 =	sadd.s32 $0x300, s9;
	[dreg:$0x8] =	wrdreg s1  }
0x17: {  	s1 =	sadd.s32 s13, s4;
	s13 =	sshrl.u32 s26, $0x2;
	s2 =	sadd.s32 s12, s3  }
0x18: {  	[dreg:$0xc] =	wrdreg s10;
	s10 =	sshll.u32 s21, $0x4;
	s20 =	sadd.s32 s24, s3  }
0x19: {  	s26 =	sshrl.u32 s25, $0x3;
	s24 =	sshrl.u32 s8, $0x3;
	s8 =	simm.s32 $0x1  }
0x1a: {  	[dreg:$0xa] =	wrdreg s2;
	s15 =	sadd.s32 s13, s4;
	s2 =	sshll.u32 s16, $0x4  }
0x1b: {  	s16 =	sadd.s32 s19, s3;
	s19 =	sadd.s32 s10, s4;
	s22 =	sadd.s32 s26, s6  }
0x1c: {  	s25 =	sshrl.u32 s1, $0x3;
	s26 =	sadd.s32 $0x1380, s7;
	s1 =	simm.s32 $0x4200  }
0x1d: {  	s10 =	simm.s32 $0x180;
	[dreg:$0xb] =	wrdreg s15;
	s2 =	sadd.s32 s2, s4  }
0x1e: {  	v0 =	vimm.f32 $0.0e+00;
	vm0 =	vcmask $0x300;
	[dreg:$0xd] =	wrdreg s2;
	s2 =	sshll.u32 s23, $0x4;
	s23 =	sadd.s32 $0x200, s9  }
0x1f: {  	v1 =	vsel vm0, $0x3F800000, v0;
	s9 =	simm.s32 $0x2;
	s21 =	sadd.s32 s2, s4;
	s2 =	simm.s32 $0x100  }
.LBB2_1:
0x20: {  	s12 =	simm.s32 $0x240  }
0x21: {  	[tilespmem:s12+$0xFFFFFFD0] =	vst v0  }
0x22: {  	[tilespmem:s12+$0xFFFFFFE0] =	vst v0  }
0x23: {  	[tilespmem:s12+$0xFFFFFFF0] =	vst v0  }
0x24: {  	[tilespmem:s12+$0x0] =	vst v0  }
0x25: {  	[tilespmem:s12+$0x10] =	vst v0  }
0x26: {  	[tilespmem:s12+$0x20] =	vst v0  }
0x27: {  	[tilespmem:s12+$0x30] =	vst v0  }
0x28: {  	s14 =	simm.s32 $0x0;
	s13 =	simm.s32 $0x40;
	[tilespmem:s12+$0xFFFFFFC0] =	vst v0  }
.LBB2_2:
0x29: {  	p0 =	sne.s32 s13, $0x1FC0;
	[tilespmem:s14+$0x8200] =	vst v0;
	s12 =	sadd.s32 $0x80, s12  }
0x2a: {  	[tilespmem:s12+$0xFFFFFFD0] =	vst v0  }
0x2b: {  	[tilespmem:s12+$0xFFFFFFE0] =	vst v0  }
0x2c: {  	[tilespmem:s12+$0xFFFFFFF0] =	vst v0  }
.Ltmp0:
0x2d: {  	[tilespmem:s12+$0x0] =	vst v0;
	(pc) =	sbr.rel @p0 .LBB2_2-.Ltmp0, $4  }
0x2e: {  	[tilespmem:s12+$0x10] =	vst v0  }
0x2f: {  	[tilespmem:s12+$0x20] =	vst v0  }
0x30: {  	[tilespmem:s12+$0x30] =	vst v0  }
0x31: {  	s14 =	sshra.s32 s13, $0x2;
	s13 =	sadd.s32 $0x40, s13;
	[tilespmem:s12+$0xFFFFFFC0] =	vst v0  }
0x32: {  	[tilespmem:s14+$0x8200] =	vst v0;
	s12 =	rddreg [dreg:$0xa]  }
0x33: {  	[spmem:s12] =	stream.linear.scatter [tilespmem:s28], [sflag:$0x3], $0x4000, $0x38;
	[tilespmem:$0x1F200] =	vst v63  }
0x34: {  	_ =	swait.ge [sflag:s29], $0x4000  }
0x35: {  	[sflag:s29] =	ssyncset.done $0x0  }
0x36: {  	s13 =	rddreg [dreg:$0xb];
	[sflag:s29] =	ssyncadd.s32 $0xFFFFC000  }
0x37: {  	[spmem:s13] =	stream.linear.scatter [tilespmem:s30], [sflag:$0x3], $0x800, $0x38;
	[tilespmem:$0x1F200] =	vst v63  }
0x38: {  	_ =	swait.ge [sflag:s29], $0x800  }
0x39: {  	[sflag:s29] =	ssyncset.done $0x0  }
0x3a: {  	s14 =	rddreg [dreg:$0xc];
	[sflag:s29] =	ssyncadd.s32 $0xFFFFF800  }
0x3b: {  	[spmem:s14] =	stream.linear.scatter [tilespmem:s28], [sflag:$0x3], $0x4000, $0x38;
	[tilespmem:$0x1F200] =	vst v63  }
0x3c: {  	_ =	swait.ge [sflag:s29], $0x4000  }
0x3d: {  	[sflag:s29] =	ssyncset.done $0x0  }
0x3e: {  	s15 =	rddreg [dreg:$0xd];
	[sflag:s29] =	ssyncadd.s32 $0xFFFFC000  }
0x3f: {  	[spmem:s15] =	stream.linear.scatter [tilespmem:s30], [sflag:$0x3], $0x800, $0x38;
	[tilespmem:$0x1F200] =	vst v63  }
0x40: {  	_ =	swait.ge [sflag:s29], $0x800  }
0x41: {  	[sflag:s29] =	ssyncset.done $0x0  }
0x42: {  	[sflag:s29] =	ssyncadd.s32 $0xFFFFF800  }
0x43: {  	[spmem:s16] =	stream.linear.scatter [tilespmem:s28], [sflag:$0x3], $0x4000, $0x38;
	[tilespmem:$0x1F200] =	vst v63  }
0x44: {  	_ =	swait.ge [sflag:s29], $0x4000  }
0x45: {  	[sflag:s29] =	ssyncset.done $0x0  }
0x46: {  	[sflag:s29] =	ssyncadd.s32 $0xFFFFC000  }
0x47: {  	[spmem:s17] =	stream.linear.scatter [tilespmem:s30], [sflag:$0x3], $0x800, $0x38;
	[tilespmem:$0x1F200] =	vst v63  }
0x48: {  	_ =	swait.ge [sflag:s29], $0x800  }
0x49: {  	[sflag:s29] =	ssyncset.done $0x0  }
0x4a: {  	[sflag:s29] =	ssyncadd.s32 $0xFFFFF800  }
0x4b: {  	[spmem:s18] =	stream.linear.scatter [tilespmem:s28], [sflag:$0x3], $0x4000, $0x38;
	[tilespmem:$0x1F200] =	vst v63  }
0x4c: {  	_ =	swait.ge [sflag:s29], $0x4000  }
0x4d: {  	[sflag:s29] =	ssyncset.done $0x0  }
0x4e: {  	[sflag:s29] =	ssyncadd.s32 $0xFFFFC000  }
0x4f: {  	[spmem:s19] =	stream.linear.scatter [tilespmem:s30], [sflag:$0x3], $0x800, $0x38;
	[tilespmem:$0x1F200] =	vst v63  }
0x50: {  	_ =	swait.ge [sflag:s29], $0x800  }
0x51: {  	[sflag:s29] =	ssyncset.done $0x0  }
0x52: {  	[sflag:s29] =	ssyncadd.s32 $0xFFFFF800  }
0x53: {  	[spmem:s20] =	stream.linear.scatter [tilespmem:s28], [sflag:$0x3], $0x4000, $0x38;
	[tilespmem:$0x1F200] =	vst v63  }
0x54: {  	_ =	swait.ge [sflag:s29], $0x4000  }
0x55: {  	[sflag:s29] =	ssyncset.done $0x0  }
0x56: {  	[sflag:s29] =	ssyncadd.s32 $0xFFFFC000  }
0x57: {  	[spmem:s21] =	stream.linear.scatter [tilespmem:s30], [sflag:$0x3], $0x800, $0x38;
	[tilespmem:$0x1F200] =	vst v63  }
0x58: {  	_ =	swait.ge [sflag:s29], $0x800  }
0x59: {  	[sflag:s29] =	ssyncset.done $0x0  }
0x5a: {  	s12 =	simm.s32 $0x40;
	s13 =	simm.s32 $0x0;
	[sflag:s29] =	ssyncadd.s32 $0xFFFFF800  }
.LBB2_4:
0x5b: {  	p0 =	sne.s32 s12, $0x1FC0;
	[tilespmem:s13+$0x8200] =	vst v1;
	s13 =	smov.u32 s12;
	s12 =	sadd.s32 $0x40, s12  }
.Ltmp1:
0x5c: {  	(pc) =	sbr.rel @p0 .LBB2_4-.Ltmp1, $2  }
0x5d: {  	_ =	sdelay $0x2  }
0x5e: {  	s13 =	sshra.s32 s13, $0x2  }
0x5f: {  	[tilespmem:s13+$0x8200] =	vst v1  }
0x60: {  	s12 =	simm.s32 $0x0;
	[bflag:$0x0] =	sbarrier.arrive $0xFFFF  }
0x61: {  	[tilespmem:s12], [sflag:$0x3] =	stream.linear.gather [hbm4b:s7+s12], $0x100, $0x38;
	[tilespmem:$0x1F200] =	vst v63  }
0x62: {  	_ =	swait.ge [sflag:s29], $0x100  }
0x63: {  	[sflag:s29] =	ssyncset.done $0x0  }
0x64: {  	[sflag:s29] =	ssyncadd.s32 $0xFFFFFF00  }
0x65: {  	[tilespmem:s28], [sflag:$0x1] =	stream.indirect.gather [hbm4b:s0+s31], $0x80, s12, s31, $0xb8;
	[tilespmem:$0x1F200] =	vst v63  }
0x66: {  	s15 =	rddreg [dreg:$0x6]  }
0x67: {  	[tilespmem:s2], [sflag:$0x3] =	stream.linear.gather [hbm4b:s15+s12], $0x100, $0x38;
	[tilespmem:$0x1F200] =	vst v63  }
0x68: {  	_ =	swait.ge [sflag:s29], $0x100  }
0x69: {  	[sflag:s29] =	ssyncset.done $0x0  }
0x6a: {  	[sflag:s29] =	ssyncadd.s32 $0xFFFFFF00  }
0x6b: {  	[tilespmem:s1], [sflag:$0x2] =	stream.indirect.gather [hbm4b:s0+s31], $0x80, s2, s31, $0xb8;
	[tilespmem:$0x1F200] =	vst v63  }
0x6c: {  	_ =	swait.ge [sflag:s8], $0x4000  }
0x6d: {  	[sflag:s8] =	ssyncset.done $0x0  }
0x6e: {  	[sflag:s8] =	ssyncadd.s32 $0xFFFFC000  }
0x6f: {  	[spmem:s3] =	stream.indirect.scatter.add.f32 [tilespmem:s28], [sflag:$0x3], $0x80, s31, s31, $0xb8;
	[tilespmem:$0x1F200] =	vst v63  }
0x70: {  	_ =	swait.ge [sflag:s29], $0x4000  }
0x71: {  	[sflag:s29] =	ssyncset.done $0x0  }
0x72: {  	[sflag:s29] =	ssyncadd.s32 $0xFFFFC000  }
0x73: {  	[spmem:s4] =	stream.indirect.scatter.add.f32 [tilespmem:s30], [sflag:$0x3], $0x10, s31, s31, $0xb8;
	[tilespmem:$0x1F200] =	vst v63  }
0x74: {  	_ =	swait.ge [sflag:s29], $0x800  }
0x75: {  	s14 =	sshrl.u32 s23, $0x3;
	[sflag:s29] =	ssyncset.done $0x0  }
0x76: {  	s12 =	sadd.s32 s6, s14;
	[sflag:s29] =	ssyncadd.s32 $0xFFFFF800  }
0x77: {  	[tilespmem:s5], [sflag:$0x3] =	stream.linear.gather [hbm4b:s12+s5], $0x100, $0x38;
	[tilespmem:$0x1F200] =	vst v63  }
0x78: {  	_ =	swait.ge [sflag:s29], $0x100  }
0x79: {  	[sflag:s29] =	ssyncset.done $0x0  }
0x7a: {  	[sflag:s29] =	ssyncadd.s32 $0xFFFFFF00  }
0x7b: {  	[tilespmem:s28], [sflag:$0x1] =	stream.indirect.gather [hbm4b:s0+s31], $0x80, s5, s31, $0xb8;
	[tilespmem:$0x1F200] =	vst v63  }
0x7c: {  	_ =	swait.ge [sflag:s9], $0x4000  }
0x7d: {  	[sflag:s9] =	ssyncset.done $0x0  }
0x7e: {  	[sflag:s9] =	ssyncadd.s32 $0xFFFFC000  }
0x7f: {  	[spmem:s3] =	stream.indirect.scatter.add.f32 [tilespmem:s1], [sflag:$0x3], $0x80, s10, s31, $0xb8;
	[tilespmem:$0x1F200] =	vst v63  }
0x80: {  	_ =	swait.ge [sflag:s29], $0x4000  }
0x81: {  	[sflag:s29] =	ssyncset.done $0x0  }
0x82: {  	[sflag:s29] =	ssyncadd.s32 $0xFFFFC000  }
0x83: {  	[spmem:s4] =	stream.indirect.scatter.add.f32 [tilespmem:s30], [sflag:$0x3], $0x10, s10, s31, $0xb8;
	[tilespmem:$0x1F200] =	vst v63  }
0x84: {  	_ =	swait.ge [sflag:s29], $0x800  }
0x85: {  	[sflag:s29] =	ssyncset.done $0x0  }
0x86: {  	s15 =	sadd.s32 $0x0, s22;
	[sflag:s29] =	ssyncadd.s32 $0xFFFFF800  }
0x87: {  	[tilespmem:s2], [sflag:$0x3] =	stream.linear.gather [hbm4b:s15+s5], $0x100, $0x38;
	[tilespmem:$0x1F200] =	vst v63  }
0x88: {  	_ =	swait.ge [sflag:s29], $0x100  }
0x89: {  	[sflag:s29] =	ssyncset.done $0x0  }
0x8a: {  	s13 =	sadd.s32 $0x200, s23;
	s12 =	simm.s32 $0x40;
	[sflag:s29] =	ssyncadd.s32 $0xFFFFFF00  }
.LBB2_6:
0x8b: {  	[tilespmem:s1], [sflag:$0x2] =	stream.indirect.gather [hbm4b:s0+s31], $0x80, s2, s31, $0xb8;
	[tilespmem:$0x1F200] =	vst v63  }
0x8c: {  	s14 =	smov.u32 s12  }
0x8d: {  	p0 =	sne.s32 s12, $0x1300;
	s12 =	sadd.s32 $0x40, s12;
	_ =	swait.ge [sflag:s8], $0x4000  }
0x8e: {  	[sflag:s8] =	ssyncset.done $0x0  }
0x8f: {  	[sflag:s8] =	ssyncadd.s32 $0xFFFFC000  }
0x90: {  	[spmem:s3] =	stream.indirect.scatter.add.f32 [tilespmem:s28], [sflag:$0x3], $0x80, s31, s31, $0xb8;
	[tilespmem:$0x1F200] =	vst v63  }
0x91: {  	_ =	swait.ge [sflag:s29], $0x4000  }
0x92: {  	[sflag:s29] =	ssyncset.done $0x0  }
0x93: {  	[sflag:s29] =	ssyncadd.s32 $0xFFFFC000  }
0x94: {  	[spmem:s4] =	stream.indirect.scatter.add.f32 [tilespmem:s30], [sflag:$0x3], $0x10, s31, s31, $0xb8;
	[tilespmem:$0x1F200] =	vst v63  }
0x95: {  	_ =	swait.ge [sflag:s29], $0x800  }
0x96: {  	s15 =	sshrl.u32 s13, $0x3;
	[sflag:s29] =	ssyncset.done $0x0  }
0x97: {  	s15 =	sadd.s32 s6, s15;
	[sflag:s29] =	ssyncadd.s32 $0xFFFFF800  }
0x98: {  	[tilespmem:s5], [sflag:$0x3] =	stream.linear.gather [hbm4b:s15+s5], $0x100, $0x38;
	[tilespmem:$0x1F200] =	vst v63  }
0x99: {  	_ =	swait.ge [sflag:s29], $0x100  }
0x9a: {  	[sflag:s29] =	ssyncset.done $0x0  }
0x9b: {  	[sflag:s29] =	ssyncadd.s32 $0xFFFFFF00  }
0x9c: {  	[tilespmem:s28], [sflag:$0x1] =	stream.indirect.gather [hbm4b:s0+s31], $0x80, s5, s31, $0xb8;
	[tilespmem:$0x1F200] =	vst v63  }
0x9d: {  	_ =	swait.ge [sflag:s9], $0x4000  }
0x9e: {  	[sflag:s9] =	ssyncset.done $0x0  }
0x9f: {  	[sflag:s9] =	ssyncadd.s32 $0xFFFFC000  }
0xa0: {  	[spmem:s3] =	stream.indirect.scatter.add.f32 [tilespmem:s1], [sflag:$0x3], $0x80, s10, s31, $0xb8;
	[tilespmem:$0x1F200] =	vst v63  }
0xa1: {  	_ =	swait.ge [sflag:s29], $0x4000  }
0xa2: {  	[sflag:s29] =	ssyncset.done $0x0  }
0xa3: {  	[sflag:s29] =	ssyncadd.s32 $0xFFFFC000  }
0xa4: {  	[spmem:s4] =	stream.indirect.scatter.add.f32 [tilespmem:s30], [sflag:$0x3], $0x10, s10, s31, $0xb8;
	[tilespmem:$0x1F200] =	vst v63  }
0xa5: {  	_ =	swait.ge [sflag:s29], $0x800  }
0xa6: {  	[sflag:s29] =	ssyncset.done $0x0  }
.Ltmp2:
0xa7: {  	s14 =	sadd.s32 s14, s22;
	[sflag:s29] =	ssyncadd.s32 $0xFFFFF800;
	(pc) =	sbr.rel @p0 .LBB2_6-.Ltmp2, $4  }
0xa8: {  	[tilespmem:s2], [sflag:$0x3] =	stream.linear.gather [hbm4b:s14+s5], $0x100, $0x38;
	[tilespmem:$0x1F200] =	vst v63  }
0xa9: {  	_ =	swait.ge [sflag:s29], $0x100  }
0xaa: {  	[sflag:s29] =	ssyncset.done $0x0  }
0xab: {  	s13 =	sadd.s32 $0x200, s13;
	[sflag:s29] =	ssyncadd.s32 $0xFFFFFF00  }
0xac: {  	[tilespmem:s1], [sflag:$0x2] =	stream.indirect.gather [hbm4b:s0+s31], $0x80, s2, s31, $0xb8;
	[tilespmem:$0x1F200] =	vst v63  }
0xad: {  	_ =	swait.ge [sflag:s8], $0x4000  }
0xae: {  	[sflag:s8] =	ssyncset.done $0x0  }
0xaf: {  	[sflag:s8] =	ssyncadd.s32 $0xFFFFC000  }
0xb0: {  	[spmem:s3] =	stream.indirect.scatter.add.f32 [tilespmem:s28], [sflag:$0x3], $0x80, s31, s31, $0xb8;
	[tilespmem:$0x1F200] =	vst v63  }
0xb1: {  	_ =	swait.ge [sflag:s29], $0x4000  }
0xb2: {  	[sflag:s29] =	ssyncset.done $0x0  }
0xb3: {  	[sflag:s29] =	ssyncadd.s32 $0xFFFFC000  }
0xb4: {  	[spmem:s4] =	stream.indirect.scatter.add.f32 [tilespmem:s30], [sflag:$0x3], $0x10, s31, s31, $0xb8;
	[tilespmem:$0x1F200] =	vst v63  }
0xb5: {  	_ =	swait.ge [sflag:s29], $0x800  }
0xb6: {  	[sflag:s29] =	ssyncset.done $0x0  }
0xb7: {  	[sflag:s29] =	ssyncadd.s32 $0xFFFFF800  }
0xb8: {  	[tilespmem:s5], [sflag:$0x3] =	stream.linear.gather [hbm4b:s26+s5], $0x100, $0x38;
	[tilespmem:$0x1F200] =	vst v63  }
0xb9: {  	_ =	swait.ge [sflag:s29], $0x100  }
0xba: {  	[sflag:s29] =	ssyncset.done $0x0  }
0xbb: {  	[sflag:s29] =	ssyncadd.s32 $0xFFFFFF00  }
0xbc: {  	[tilespmem:s28], [sflag:$0x1] =	stream.indirect.gather [hbm4b:s0+s31], $0x80, s5, s31, $0xb8;
	[tilespmem:$0x1F200] =	vst v63  }
0xbd: {  	_ =	swait.ge [sflag:s9], $0x4000  }
0xbe: {  	[sflag:s9] =	ssyncset.done $0x0  }
0xbf: {  	[sflag:s9] =	ssyncadd.s32 $0xFFFFC000  }
0xc0: {  	[spmem:s3] =	stream.indirect.scatter.add.f32 [tilespmem:s1], [sflag:$0x3], $0x80, s10, s31, $0xb8;
	[tilespmem:$0x1F200] =	vst v63  }
0xc1: {  	_ =	swait.ge [sflag:s29], $0x4000  }
0xc2: {  	[sflag:s29] =	ssyncset.done $0x0  }
0xc3: {  	[sflag:s29] =	ssyncadd.s32 $0xFFFFC000  }
0xc4: {  	[spmem:s4] =	stream.indirect.scatter.add.f32 [tilespmem:s30], [sflag:$0x3], $0x10, s10, s31, $0xb8;
	[tilespmem:$0x1F200] =	vst v63  }
0xc5: {  	_ =	swait.ge [sflag:s29], $0x800  }
0xc6: {  	[sflag:s29] =	ssyncset.done $0x0  }
0xc7: {  	[sflag:s29] =	ssyncadd.s32 $0xFFFFF800  }
0xc8: {  	_ =	swait.ge [sflag:s8], $0x4000  }
0xc9: {  	[sflag:s8] =	ssyncset.done $0x0  }
0xca: {  	[sflag:s8] =	ssyncadd.s32 $0xFFFFC000  }
0xcb: {  	[spmem:s3] =	stream.indirect.scatter.add.f32 [tilespmem:s28], [sflag:$0x3], $0x80, s31, s31, $0xb8;
	[tilespmem:$0x1F200] =	vst v63  }
0xcc: {  	_ =	swait.ge [sflag:s29], $0x4000  }
0xcd: {  	[sflag:s29] =	ssyncset.done $0x0  }
0xce: {  	[sflag:s29] =	ssyncadd.s32 $0xFFFFC000  }
0xcf: {  	[spmem:s4] =	stream.indirect.scatter.add.f32 [tilespmem:s30], [sflag:$0x3], $0x10, s31, s31, $0xb8;
	[tilespmem:$0x1F200] =	vst v63  }
0xd0: {  	_ =	swait.ge [sflag:s29], $0x800  }
0xd1: {  	[sflag:s29] =	ssyncset.done $0x0  }
0xd2: {  	s12 =	stileid.u32;
	[sflag:s29] =	ssyncadd.s32 $0xFFFFF800  }
0xd3: {  	s12 =	sshll.u32 s12, $0x6;
	[bflag:$0x0] =	sbarrier.arrive $0xFFFF  }
0xd4: {  	s12 =	sor.u32 $0x1C03, s12;
	s13 =	rddreg [dreg:$0x7]  }
0xd5: {  	[hbm:s13], [sflag:s12] =	dma.local [spmem:s24], $0x2800  }
0xd6: {  	_ =	swait.ge [sflag:s29], $0x2800  }
0xd7: {  	[sflag:s29] =	ssyncset.done $0x0  }
0xd8: {  	s14 =	rddreg [dreg:$0x8];
	[sflag:s29] =	ssyncadd.s32 $0xFFFFD800  }
0xd9: {  	[hbm:s14], [sflag:s12] =	dma.local [spmem:s25], $0x500  }
0xda: {  	_ =	swait.ge [sflag:s29], $0x500  }
0xdb: {  	s11 =	sadd.s32 $0x1, s11;
	s15 =	rddreg [dreg:$0x9]  }
0xdc: {  	p0 =	sne.s32 s11, s15  }
.Ltmp3:
0xdd: {  	_ = 	snop;
	(pc) =	sbr.rel @p0 .LBB2_1-.Ltmp3, $3  }
0xde: {  	_ =	sdelay $0x1  }
0xdf: {  	[sflag:s29] =	ssyncset.done $0x0  }
0xe0: {  	[sflag:s29] =	ssyncadd.s32 $0xFFFFFB00  }
0xe1: {  	_ =	sfence.sel $0x180000  }
0xe2: {  	[bflag:$0x0] =	sbarrier.arrive $0xFFFF  }
0xe3: {  	_ =	strace $0x90000047  }
0xe4: {  	s0 =	stileid.u32;
	[bflag:$0x2] =	sbarrier.arrive $0xFFFF  }
0xe5: {  	p0 =	sne.s32 s0, $0x0;
	s0 =	rddreg [dreg:$0x5]  }
0xe6: {  	s0 =	sadd.s32 @!p0 $0x100000, s0  }
0xe7: {  	[sflag:s0] =	ssyncadd.tile.s32 @!p0 $0x1;
	_ =	shalt  }
.Lfunc_end2:
_tile_overlayer_lowered:
.L_overlay_start_2:
0xe8: {  	(tag) =	ssettag $0x2  }
0xe9: {  	s0 =	rddreg [dreg:$0x0];
	s2 =	stileid.u32  }
0xea: {  	s1 =	rddreg [dreg:$0x1];
	p0 =	sne.s32 s2, $0x0  }
0xeb: {  	s3 =	rddreg [dreg:$0x2];
	[bflag:$0x3] =	sbarrier.arrive $0xFFFF;
	s2 =	simm.s32 @!p0 $0x1C03  }
0xec: {  	[timem:s3], [sflag:s2] =	dma.local @!p0 [hbm:s0], s1  }
0xed: {  	s0 =	simm.s32 @!p0 $0x3  }
0xee: {  	_ =	swait.ge @!p0 [sflag:s0], s1  }
0xef: {  	s1 =	ssub.s32 @!p0 $0x0, s1;
	[sflag:s0] =	ssyncset.done @!p0 $0x0  }
0xf0: {  	[sflag:s0] =	ssyncadd.s32 @!p0 s1  }
0xf1: {  	[bflag:$0x3] =	sbarrier.arrive $0xFFFF  }
0xf2: {  	_ =	shalt  }

</sc_bundles>
